<compile_context>
chip_gen: v7x
topology: tpu7x:2x2x1
jax: 0.10.2.dev20260603
libtpu: 0.0.44.dev20260713+nightly
codegen_flags: <defaults>
</compile_context>

<pallas_src>
import functools

import jax
import jax.numpy as jnp
from jax import lax
from jax.experimental import pallas as pl
from jax.experimental.pallas import tpu as pltpu
from jax.experimental.pallas import tpu_sc as plsc

N = 10000
NP = 10240
E = 320000
EPAD = 327680
D_IN = 128
D_H = 128
D_L = 64

NC = 2
NS = 16
W_E = 128
EPT = EPAD // (NC * NS)
NWIN = EPT // W_E
CH_W = 40
CH_D = 80
RPT = NP // NS

_MESH = plsc.VectorSubcoreMesh(
    core_axis_name="c", subcore_axis_name="s", num_cores=NC, num_subcores=NS
)



@functools.partial(
    pl.kernel,
    out_type=jax.ShapeDtypeStruct((NC, NP, D_H), jnp.float32),
    mesh=_MESH,
    scratch_types=[
        pltpu.VMEM_SHARED((NP, D_H), jnp.float32),
        pltpu.VMEM((CH_D, W_E), jnp.int32),
        pltpu.VMEM((W_E, D_H), jnp.float32),
        pltpu.SemaphoreType.DMA,
    ],
)
def _sc_degree(dst_hbm, ones_hbm, zeros_hbm, out_hbm, deg_sp, dst_v, ones_v,
               ssem):
    c = lax.axis_index("c")
    s = lax.axis_index("s")
    r0 = s * RPT
    pltpu.sync_copy(ones_hbm, ones_v)
    pltpu.sync_copy(zeros_hbm.at[pl.ds(r0, RPT)], deg_sp.at[pl.ds(r0, RPT)])
    plsc.subcore_barrier()

    def chunk(ci, carry):
        pltpu.sync_copy(dst_hbm.at[c].at[s].at[pl.ds(ci * CH_D, CH_D)], dst_v)

        def fire(w, c2):
            pltpu.async_copy(ones_v, deg_sp.at[dst_v.at[w]], ssem, add=True)
            return c2

        lax.fori_loop(0, CH_D, fire, 0)

        def drain(w, c2):
            pltpu.make_async_copy(ones_v, deg_sp.at[dst_v.at[w]], ssem).wait()
            return c2

        lax.fori_loop(0, CH_D, drain, 0)
        return carry

    lax.fori_loop(0, NWIN // CH_D, chunk, 0)
    plsc.subcore_barrier()
    pltpu.sync_copy(deg_sp.at[pl.ds(r0, RPT)], out_hbm.at[c].at[pl.ds(r0, RPT)])


@functools.partial(
    pl.kernel,
    out_type=jax.ShapeDtypeStruct((NC, NP, D_H), jnp.float32),
    mesh=_MESH,
    scratch_types=[
        pltpu.VMEM_SHARED((NP, D_H), jnp.float32),
        pltpu.VMEM((CH_W, W_E), jnp.int32),
        pltpu.VMEM((CH_W, W_E), jnp.int32),
        pltpu.VMEM((W_E, D_H), jnp.float32),
        pltpu.VMEM((W_E, D_H), jnp.float32),
        pltpu.SemaphoreType.DMA,
        pltpu.SemaphoreType.DMA,
        pltpu.SemaphoreType.DMA,
    ],
)
def _sc_aggregate(t_hbm, src_hbm, dst_hbm, out_hbm,
                  accum_sp, src_v, dst_v, rows0, rows1, gsem0, gsem1, ssem):
    c = lax.axis_index("c")
    s = lax.axis_index("s")
    r0 = s * RPT
    pltpu.sync_copy(t_hbm.at[pl.ds(r0, RPT)], accum_sp.at[pl.ds(r0, RPT)])
    plsc.subcore_barrier()

    def chunk(ci, carry):
        pltpu.sync_copy(src_hbm.at[c].at[s].at[pl.ds(ci * CH_W, CH_W)], src_v)
        pltpu.sync_copy(dst_hbm.at[c].at[s].at[pl.ds(ci * CH_W, CH_W)], dst_v)
        pltpu.async_copy(t_hbm.at[src_v.at[0]], rows0, gsem0)

        def pair(u, c2):
            w0 = 2 * u
            w1 = w0 + 1
            pltpu.make_async_copy(t_hbm.at[src_v.at[w0]], rows0, gsem0).wait()
            pltpu.async_copy(rows0, accum_sp.at[dst_v.at[w0]], ssem, add=True)

            @pl.when(u > 0)
            def _():
                pltpu.make_async_copy(
                    rows1, accum_sp.at[dst_v.at[w0 - 1]], ssem).wait()

            pltpu.async_copy(t_hbm.at[src_v.at[w1]], rows1, gsem1)
            pltpu.make_async_copy(t_hbm.at[src_v.at[w1]], rows1, gsem1).wait()
            pltpu.async_copy(rows1, accum_sp.at[dst_v.at[w1]], ssem, add=True)
            pltpu.make_async_copy(
                rows0, accum_sp.at[dst_v.at[w0]], ssem).wait()

            @pl.when(u < CH_W // 2 - 1)
            def _():
                pltpu.async_copy(t_hbm.at[src_v.at[w0 + 2]], rows0, gsem0)

            return c2

        lax.fori_loop(0, CH_W // 2, pair, 0)
        pltpu.make_async_copy(
            rows1, accum_sp.at[dst_v.at[CH_W - 1]], ssem).wait()
        return carry

    lax.fori_loop(0, NWIN // CH_W, chunk, 0)
    plsc.subcore_barrier()
    pltpu.sync_copy(accum_sp.at[pl.ds(r0, RPT)], out_hbm.at[c].at[pl.ds(r0, RPT)])



_BN = 10240


def _tc_scale_in_body(x_ref, w1_ref, degw_ref, t_ref, dinv_ref):
    degw = degw_ref[...]
    deg = degw[0, :, 0:1] + degw[1, :, 0:1] + 1.0
    dinv = lax.rsqrt(deg)
    xw = jnp.dot(x_ref[...], w1_ref[...], preferred_element_type=jnp.float32)
    t_ref[...] = xw * dinv
    dinv_ref[...] = dinv


def _tc_hidden_body(sp_ref, t_ref, dinv_ref, b1_ref, t2_ref):
    s1 = sp_ref[0] + sp_ref[1] - t_ref[...]
    dinv = dinv_ref[...]
    h = jnp.tanh(s1 * dinv + b1_ref[...])
    t2_ref[...] = h * dinv


def _tc_out_body(sp_ref, t2_ref, dinv_ref, wcat_ref, bcat_ref, noise_ref,
                 z_ref, mean_ref, logvar_ref):
    g = (sp_ref[0] + sp_ref[1] - t2_ref[...]) * dinv_ref[...]
    ml = jnp.dot(g, wcat_ref[...], preferred_element_type=jnp.float32)
    ml = ml + bcat_ref[...]
    mean = ml[:, :D_L]
    logvar = ml[:, D_L:]
    z_ref[...] = noise_ref[...] * jnp.exp(0.5 * logvar) + mean
    mean_ref[...] = mean
    logvar_ref[...] = logvar


def _pair_spec():
    return pl.BlockSpec((2, _BN, D_H), lambda i: (0, i, 0))


def _rows_spec(d):
    return pl.BlockSpec((_BN, d), lambda i: (i, 0))


def _full_spec(a, b):
    return pl.BlockSpec((a, b), lambda i: (0, 0))




def kernel(x, edge_index, W1, b1, Wm, bm, Wlv, blv):
    n = x.shape[0]
    assert n == N and edge_index.shape == (2, E)
    pad_idx = N + (jnp.arange(EPAD - E, dtype=jnp.int32) % (NP - N))
    src = jnp.concatenate([edge_index[0], pad_idx])
    dst = jnp.concatenate([edge_index[1], pad_idx])
    src_m = src.reshape(NC, NS, NWIN, W_E)
    dst_m = dst.reshape(NC, NS, NWIN, W_E)
    ones_w = jnp.ones((W_E, D_H), jnp.float32)
    zeros_n = jnp.zeros((NP, D_H), jnp.float32)
    xp = jnp.pad(x, ((0, NP - N), (0, 0)))

    degw = _sc_degree(dst_m, ones_w, zeros_n)

    grid = (NP // _BN,)
    t, dinv = pl.pallas_call(
        _tc_scale_in_body,
        grid=grid,
        in_specs=[
            _rows_spec(D_IN),
            _full_spec(D_IN, D_H),
            _pair_spec(),
        ],
        out_specs=[_rows_spec(D_H), _rows_spec(1)],
        out_shape=[
            jax.ShapeDtypeStruct((NP, D_H), jnp.float32),
            jax.ShapeDtypeStruct((NP, 1), jnp.float32),
        ],
    )(xp, W1, degw)

    s1p = _sc_aggregate(t, src_m, dst_m)

    t2 = pl.pallas_call(
        _tc_hidden_body,
        grid=grid,
        in_specs=[_pair_spec(), _rows_spec(D_H), _rows_spec(1),
                  _full_spec(1, D_H)],
        out_specs=[_rows_spec(D_H)],
        out_shape=[jax.ShapeDtypeStruct((NP, D_H), jnp.float32)],
    )(s1p, t, dinv, b1.reshape(1, D_H))[0]

    s2p = _sc_aggregate(t2, src_m, dst_m)

    wcat = jnp.concatenate([Wm, Wlv], axis=1)
    bcat = jnp.concatenate([bm, blv]).reshape(1, 2 * D_L)
    noise = jax.random.normal(jax.random.key(42), (n, D_L), dtype=jnp.float32)
    noise = jnp.pad(noise, ((0, NP - N), (0, 0)))

    z, mean, logvar = pl.pallas_call(
        _tc_out_body,
        grid=grid,
        in_specs=[
            _pair_spec(),
            _rows_spec(D_H),
            _rows_spec(1),
            _full_spec(D_H, 2 * D_L),
            _full_spec(1, 2 * D_L),
            _rows_spec(D_L),
        ],
        out_specs=[_rows_spec(D_L)] * 3,
        out_shape=[jax.ShapeDtypeStruct((NP, D_L), jnp.float32)] * 3,
    )(s2p, t2, dinv, wcat, bcat, noise)

    return (z[:N], mean[:N], logvar[:N])

# --- scband reference (transcript-rebuilt; emitter-appended) ---
"""Pipeline reference for scband-combined-hidden-pradaencoder-369367188151 (READ-ONLY COPY).

The authoritative reference and input builder live on the scoring server;
editing this copy changes nothing except your own understanding.
"""

import jax, jax.numpy as jnp
import numpy as np

N = 10000
E = 320000
D_IN = 128
D_H = 128
D_L = 64


def _glorot(key, shape):
    fan_in, fan_out = shape[0], shape[1]
    scale = jnp.sqrt(2.0 / (fan_in + fan_out))
    return jax.random.normal(key, shape, dtype=jnp.float32) * scale


def setup_inputs(seed: int = 0) -> dict:
    key = jax.random.key(seed)
    ks = jax.random.split(key, 8)
    x = jax.random.normal(ks[0], (N, D_IN), dtype=jnp.float32)
    edge_index = jax.random.randint(ks[1], (2, E), 0, N, dtype=jnp.int32)
    W1 = _glorot(ks[2], (D_IN, D_H))
    b1 = jnp.zeros((D_H,), dtype=jnp.float32)
    Wm = _glorot(ks[3], (D_H, D_L))
    bm = jnp.zeros((D_L,), dtype=jnp.float32)
    Wlv = _glorot(ks[4], (D_H, D_L))
    blv = jnp.zeros((D_L,), dtype=jnp.float32)
    return {"x": x, "edge_index": edge_index, "W1": W1, "b1": b1, "Wm": Wm, "bm": bm, "Wlv": Wlv, "blv": blv}


def _gcn_conv(x, W, b, src, dst, deg_inv_sqrt, n):
    # GCNConv: x' = D^{-1/2} (A + I) D^{-1/2} X W + b (self loops already in src/dst)
    xw = x @ W
    norm = deg_inv_sqrt[src] * deg_inv_sqrt[dst]
    msg = xw[src] * norm[:, None]
    out = jnp.zeros((n, W.shape[1]), dtype=x.dtype).at[dst].add(msg)
    return out + b


def reference(x, edge_index, W1, b1, Wm, bm, Wlv, blv):
    n = x.shape[0]
    loop = jnp.arange(n, dtype=edge_index.dtype)
    src = jnp.concatenate([edge_index[0], loop])
    dst = jnp.concatenate([edge_index[1], loop])
    deg = jnp.zeros((n,), dtype=jnp.float32).at[dst].add(1.0)
    deg_inv_sqrt = jnp.where(deg > 0, jax.lax.rsqrt(jnp.maximum(deg, 1e-12)), 0.0)

    h = jnp.tanh(_gcn_conv(x, W1, b1, src, dst, deg_inv_sqrt, n))
    mean = _gcn_conv(h, Wm, bm, src, dst, deg_inv_sqrt, n)
    logvar = _gcn_conv(h, Wlv, blv, src, dst, deg_inv_sqrt, n)

    noise = jax.random.normal(jax.random.key(42), (n, logvar.shape[1]), dtype=jnp.float32)
    z = noise * jnp.exp(0.5 * logvar) + mean
    return (z, mean, logvar)

if __name__ == "__main__":
    import jax
    _d = setup_inputs()
    print(jax.jit(kernel)(*tuple(_d.values())))

</pallas_src>

<mosaic_0001>
#map = affine_map<(d0, d1) -> (0, 0, 0, 0)>
#map1 = affine_map<(d0, d1) -> (0, 0)>
#map2 = affine_map<(d0, d1) -> (0, 0, 0)>
module attributes {stable_mosaic.version = 14 : i64} {
  func.func @_sc_degree(%arg0: i32, %arg1: i32, %arg2: memref<2x16x80x128xi32, #tpu.memory_space<hbm>>, %arg3: memref<128x128xf32, #tpu.memory_space<hbm>>, %arg4: memref<10240x128xf32, #tpu.memory_space<hbm>>, %arg5: memref<2x10240x128xf32, #tpu.memory_space<hbm>>, %arg6: memref<10240x128xf32, #tpu.memory_space<vmem_shared>>, %arg7: memref<80x128xi32, #tpu.memory_space<vmem>>, %arg8: memref<128x128xf32, #tpu.memory_space<vmem>>, %arg9: memref<!tpu.dma_semaphore, #tpu.memory_space<semaphore_mem>>) attributes {dimension_semantics = [#tpu.dimension_semantics<core_parallel>, #tpu.dimension_semantics<subcore_parallel>], iteration_bounds = array<i64: 2, 16>, scalar_prefetch = 0 : i64, scratch_operands = 4 : i64, tpu.core_type = #tpu.core_type<sc_vector_subcore>, window_params = [{transform_indices = #map}, {transform_indices = #map1}, {transform_indices = #map1}, {transform_indices = #map2}]} {
    %mul3A = arith.constant 640 : i32
    %mul3A_0 = arith.muli %arg1, %mul3A : i32
    "tpu.region"() ({
      %run_scoped3A = tpu.sem_alloc : memref<!tpu.dma_semaphore, #tpu.memory_space<semaphore_mem>>
      tpu.enqueue_dma source(%arg3 : memref<128x128xf32, #tpu.memory_space<hbm>>) target(%arg8 : memref<128x128xf32, #tpu.memory_space<vmem>>) target_semaphore(%run_scoped3A : memref<!tpu.dma_semaphore, #tpu.memory_space<semaphore_mem>>)
      tpu.wait_dma2 semaphore(%run_scoped3A : memref<!tpu.dma_semaphore, #tpu.memory_space<semaphore_mem>>) src(%arg3 : memref<128x128xf32, #tpu.memory_space<hbm>>) dst(%arg8 : memref<128x128xf32, #tpu.memory_space<vmem>>)
      tpu.yield
    }) : () -> ()
    "tpu.region"() ({
      %run_scoped3A = tpu.sem_alloc : memref<!tpu.dma_semaphore, #tpu.memory_space<semaphore_mem>>
      %dma_start3A = arith.constant 0 : i32
      %dma_start3A_18 = tpu.memref_slice %arg6[%mul3A_0, %dma_start3A] : memref<10240x128xf32, #tpu.memory_space<vmem_shared>> -> memref<640x128xf32, #tpu.memory_space<vmem_shared>>
      %dma_start3A_19 = arith.constant 0 : i32
      %dma_start3A_20 = tpu.memref_slice %arg4[%mul3A_0, %dma_start3A_19] : memref<10240x128xf32, #tpu.memory_space<hbm>> -> memref<640x128xf32, #tpu.memory_space<hbm>>
      tpu.enqueue_dma source(%dma_start3A_20 : memref<640x128xf32, #tpu.memory_space<hbm>>) target(%dma_start3A_18 : memref<640x128xf32, #tpu.memory_space<vmem_shared>>) target_semaphore(%run_scoped3A : memref<!tpu.dma_semaphore, #tpu.memory_space<semaphore_mem>>)
      %dma_wait3A = arith.constant 0 : i32
      %dma_wait3A_21 = tpu.memref_slice %arg6[%mul3A_0, %dma_wait3A] : memref<10240x128xf32, #tpu.memory_space<vmem_shared>> -> memref<640x128xf32, #tpu.memory_space<vmem_shared>>
      %dma_wait3A_22 = arith.constant 0 : i32
      %dma_wait3A_23 = tpu.memref_slice %arg4[%mul3A_0, %dma_wait3A_22] : memref<10240x128xf32, #tpu.memory_space<hbm>> -> memref<640x128xf32, #tpu.memory_space<hbm>>
      tpu.wait_dma2 semaphore(%run_scoped3A : memref<!tpu.dma_semaphore, #tpu.memory_space<semaphore_mem>>) src(%dma_wait3A_23 : memref<640x128xf32, #tpu.memory_space<hbm>>) dst(%dma_wait3A_21 : memref<640x128xf32, #tpu.memory_space<vmem_shared>>)
      tpu.yield
    }) : () -> ()
    %barrier3A = arith.constant 0 : index
    tpu.barrier barrier_id(%barrier3A)
    %scan3A = arith.constant 0 : i32
    %scan3A_1 = arith.constant 0 : i32
    %mul3A_2 = arith.constant 80 : i32
    %mul3A_3 = arith.muli %scan3A_1, %mul3A_2 : i32
    "tpu.region"() ({
      %run_scoped3A = tpu.sem_alloc : memref<!tpu.dma_semaphore, #tpu.memory_space<semaphore_mem>>
      %dma_start3A = arith.constant 0 : i32
      %dma_start3A_18 = arith.constant 0 : i32
      %dma_start3A_19 = arith.constant 0 : i32
      %dma_start3A_20 = tpu.memref_slice %arg2[%arg0, %dma_start3A, %dma_start3A_18, %dma_start3A_19] : memref<2x16x80x128xi32, #tpu.memory_space<hbm>> -> memref<1x16x80x128xi32, #tpu.memory_space<hbm>>
      %dma_start3A_21 = tpu.memref_squeeze %dma_start3A_20 : memref<1x16x80x128xi32, #tpu.memory_space<hbm>> -> memref<16x80x128xi32, #tpu.memory_space<hbm>>
      %dma_start3A_22 = arith.constant 0 : i32
      %dma_start3A_23 = arith.constant 0 : i32
      %dma_start3A_24 = tpu.memref_slice %dma_start3A_21[%arg1, %dma_start3A_22, %dma_start3A_23] : memref<16x80x128xi32, #tpu.memory_space<hbm>> -> memref<1x80x128xi32, #tpu.memory_space<hbm>>
      %dma_start3A_25 = tpu.memref_squeeze %dma_start3A_24 : memref<1x80x128xi32, #tpu.memory_space<hbm>> -> memref<80x128xi32, #tpu.memory_space<hbm>>
      %dma_start3A_26 = arith.constant 0 : i32
      %dma_start3A_27 = tpu.memref_slice %dma_start3A_25[%mul3A_3, %dma_start3A_26] : memref<80x128xi32, #tpu.memory_space<hbm>> -> memref<80x128xi32, #tpu.memory_space<hbm>>
      %dma_start3A_28 = arith.constant 0 : i32
      %dma_start3A_29 = arith.constant 0 : i32
      %dma_start3A_30 = arith.constant 0 : i32
      %dma_start3A_31 = tpu.memref_slice %arg2[%arg0, %dma_start3A_28, %dma_start3A_29, %dma_start3A_30] : memref<2x16x80x128xi32, #tpu.memory_space<hbm>> -> memref<1x16x80x128xi32, #tpu.memory_space<hbm>>
      %dma_start3A_32 = tpu.memref_squeeze %dma_start3A_31 : memref<1x16x80x128xi32, #tpu.memory_space<hbm>> -> memref<16x80x128xi32, #tpu.memory_space<hbm>>
      %dma_start3A_33 = arith.constant 0 : i32
      %dma_start3A_34 = arith.constant 0 : i32
      %dma_start3A_35 = tpu.memref_slice %dma_start3A_32[%arg1, %dma_start3A_33, %dma_start3A_34] : memref<16x80x128xi32, #tpu.memory_space<hbm>> -> memref<1x80x128xi32, #tpu.memory_space<hbm>>
      %dma_start3A_36 = tpu.memref_squeeze %dma_start3A_35 : memref<1x80x128xi32, #tpu.memory_space<hbm>> -> memref<80x128xi32, #tpu.memory_space<hbm>>
      %dma_start3A_37 = arith.constant 0 : i32
      %dma_start3A_38 = tpu.memref_slice %dma_start3A_36[%mul3A_3, %dma_start3A_37] : memref<80x128xi32, #tpu.memory_space<hbm>> -> memref<80x128xi32, #tpu.memory_space<hbm>>
      tpu.enqueue_dma source(%dma_start3A_38 : memref<80x128xi32, #tpu.memory_space<hbm>>) target(%arg7 : memref<80x128xi32, #tpu.memory_space<vmem>>) target_semaphore(%run_scoped3A : memref<!tpu.dma_semaphore, #tpu.memory_space<semaphore_mem>>)
      %dma_wait3A = arith.constant 0 : i32
      %dma_wait3A_39 = arith.constant 0 : i32
      %dma_wait3A_40 = arith.constant 0 : i32
      %dma_wait3A_41 = tpu.memref_slice %arg2[%arg0, %dma_wait3A, %dma_wait3A_39, %dma_wait3A_40] : memref<2x16x80x128xi32, #tpu.memory_space<hbm>> -> memref<1x16x80x128xi32, #tpu.memory_space<hbm>>
      %dma_wait3A_42 = tpu.memref_squeeze %dma_wait3A_41 : memref<1x16x80x128xi32, #tpu.memory_space<hbm>> -> memref<16x80x128xi32, #tpu.memory_space<hbm>>
      %dma_wait3A_43 = arith.constant 0 : i32
      %dma_wait3A_44 = arith.constant 0 : i32
      %dma_wait3A_45 = tpu.memref_slice %dma_wait3A_42[%arg1, %dma_wait3A_43, %dma_wait3A_44] : memref<16x80x128xi32, #tpu.memory_space<hbm>> -> memref<1x80x128xi32, #tpu.memory_space<hbm>>
      %dma_wait3A_46 = tpu.memref_squeeze %dma_wait3A_45 : memref<1x80x128xi32, #tpu.memory_space<hbm>> -> memref<80x128xi32, #tpu.memory_space<hbm>>
      %dma_wait3A_47 = arith.constant 0 : i32
      %dma_wait3A_48 = tpu.memref_slice %dma_wait3A_46[%mul3A_3, %dma_wait3A_47] : memref<80x128xi32, #tpu.memory_space<hbm>> -> memref<80x128xi32, #tpu.memory_space<hbm>>
      %dma_wait3A_49 = arith.constant 0 : i32
      %dma_wait3A_50 = arith.constant 0 : i32
      %dma_wait3A_51 = arith.constant 0 : i32
      %dma_wait3A_52 = tpu.memref_slice %arg2[%arg0, %dma_wait3A_49, %dma_wait3A_50, %dma_wait3A_51] : memref<2x16x80x128xi32, #tpu.memory_space<hbm>> -> memref<1x16x80x128xi32, #tpu.memory_space<hbm>>
      %dma_wait3A_53 = tpu.memref_squeeze %dma_wait3A_52 : memref<1x16x80x128xi32, #tpu.memory_space<hbm>> -> memref<16x80x128xi32, #tpu.memory_space<hbm>>
      %dma_wait3A_54 = arith.constant 0 : i32
      %dma_wait3A_55 = arith.constant 0 : i32
      %dma_wait3A_56 = tpu.memref_slice %dma_wait3A_53[%arg1, %dma_wait3A_54, %dma_wait3A_55] : memref<16x80x128xi32, #tpu.memory_space<hbm>> -> memref<1x80x128xi32, #tpu.memory_space<hbm>>
      %dma_wait3A_57 = tpu.memref_squeeze %dma_wait3A_56 : memref<1x80x128xi32, #tpu.memory_space<hbm>> -> memref<80x128xi32, #tpu.memory_space<hbm>>
      %dma_wait3A_58 = arith.constant 0 : i32
      %dma_wait3A_59 = tpu.memref_slice %dma_wait3A_57[%mul3A_3, %dma_wait3A_58] : memref<80x128xi32, #tpu.memory_space<hbm>> -> memref<80x128xi32, #tpu.memory_space<hbm>>
      tpu.wait_dma2 semaphore(%run_scoped3A : memref<!tpu.dma_semaphore, #tpu.memory_space<semaphore_mem>>) src(%dma_wait3A_59 : memref<80x128xi32, #tpu.memory_space<hbm>>) dst(%arg7 : memref<80x128xi32, #tpu.memory_space<vmem>>)
      tpu.yield
    }) : () -> ()
    %scan3A_4 = arith.constant 0 : i32
    %scan3A_5 = arith.constant 0 : i32
    %scan3A_6 = arith.constant 80 : i32
    %scan3A_7 = arith.addi %scan3A_5, %scan3A_6 : i32
    %scan3A_8 = arith.constant 1 : i32
    scf.for %scan3A_18 = %scan3A_5 to %scan3A_7 step %scan3A_8  : i32 {
      %dma_start3A = arith.constant 0 : i32
      %dma_start3A_19 = tpu.memref_slice %arg7[%scan3A_18, %dma_start3A] : memref<80x128xi32, #tpu.memory_space<vmem>> -> memref<1x128xi32, #tpu.memory_space<vmem>>
      %dma_start3A_20 = tpu.memref_squeeze %dma_start3A_19 : memref<1x128xi32, #tpu.memory_space<vmem>> -> memref<128xi32, #tpu.memory_space<vmem>>
      %dma_start3A_21 = arith.constant 0 : i32
      %dma_start3A_22 = arith.constant 0 : i32
      %dma_start3A_23 = tpu.memref_slice %arg6[%dma_start3A_21, %dma_start3A_22] : memref<10240x128xf32, #tpu.memory_space<vmem_shared>> -> memref<10240x128xf32, #tpu.memory_space<vmem_shared>>
      tpu.enqueue_indirect_dma source(%arg8 : memref<128x128xf32, #tpu.memory_space<vmem>>) target(%dma_start3A_23 : memref<10240x128xf32, #tpu.memory_space<vmem_shared>>) offsets(%dma_start3A_20 : memref<128xi32, #tpu.memory_space<vmem>>) semaphore(%arg9 : memref<!tpu.dma_semaphore, #tpu.memory_space<semaphore_mem>>) {add = true}
    }
    %scan3A_9 = arith.constant 80 : i32
    %scan3A_10 = arith.constant 0 : i32
    %scan3A_11 = arith.constant 0 : i32
    %scan3A_12 = arith.constant 80 : i32
    %scan3A_13 = arith.addi %scan3A_11, %scan3A_12 : i32
    %scan3A_14 = arith.constant 1 : i32
    scf.for %scan3A_18 = %scan3A_11 to %scan3A_13 step %scan3A_14  : i32 {
      %dma_wait3A = arith.constant 0 : i32
      %dma_wait3A_19 = tpu.memref_slice %arg7[%scan3A_18, %dma_wait3A] : memref<80x128xi32, #tpu.memory_space<vmem>> -> memref<1x128xi32, #tpu.memory_space<vmem>>
      %dma_wait3A_20 = tpu.memref_squeeze %dma_wait3A_19 : memref<1x128xi32, #tpu.memory_space<vmem>> -> memref<128xi32, #tpu.memory_space<vmem>>
      %dma_wait3A_21 = arith.constant 0 : i32
      %dma_wait3A_22 = arith.constant 0 : i32
      %dma_wait3A_23 = tpu.memref_slice %arg6[%dma_wait3A_21, %dma_wait3A_22] : memref<10240x128xf32, #tpu.memory_space<vmem_shared>> -> memref<10240x128xf32, #tpu.memory_space<vmem_shared>>
      tpu.wait_indirect_dma semaphore(%arg9 : memref<!tpu.dma_semaphore, #tpu.memory_space<semaphore_mem>>) src(%arg8 : memref<128x128xf32, #tpu.memory_space<vmem>>) dst(%dma_wait3A_23 : memref<10240x128xf32, #tpu.memory_space<vmem_shared>>)
    }
    %scan3A_15 = arith.constant 80 : i32
    %scan3A_16 = arith.constant 1 : i32
    %barrier3A_17 = arith.constant 0 : index
    tpu.barrier barrier_id(%barrier3A_17)
    "tpu.region"() ({
      %run_scoped3A = tpu.sem_alloc : memref<!tpu.dma_semaphore, #tpu.memory_space<semaphore_mem>>
      %dma_start3A = arith.constant 0 : i32
      %dma_start3A_18 = arith.constant 0 : i32
      %dma_start3A_19 = tpu.memref_slice %arg5[%arg0, %dma_start3A, %dma_start3A_18] : memref<2x10240x128xf32, #tpu.memory_space<hbm>> -> memref<1x10240x128xf32, #tpu.memory_space<hbm>>
      %dma_start3A_20 = tpu.memref_squeeze %dma_start3A_19 : memref<1x10240x128xf32, #tpu.memory_space<hbm>> -> memref<10240x128xf32, #tpu.memory_space<hbm>>
      %dma_start3A_21 = arith.constant 0 : i32
      %dma_start3A_22 = tpu.memref_slice %dma_start3A_20[%mul3A_0, %dma_start3A_21] : memref<10240x128xf32, #tpu.memory_space<hbm>> -> memref<640x128xf32, #tpu.memory_space<hbm>>
      %dma_start3A_23 = arith.constant 0 : i32
      %dma_start3A_24 = tpu.memref_slice %arg6[%mul3A_0, %dma_start3A_23] : memref<10240x128xf32, #tpu.memory_space<vmem_shared>> -> memref<640x128xf32, #tpu.memory_space<vmem_shared>>
      tpu.enqueue_dma source(%dma_start3A_24 : memref<640x128xf32, #tpu.memory_space<vmem_shared>>) target(%dma_start3A_22 : memref<640x128xf32, #tpu.memory_space<hbm>>) target_semaphore(%run_scoped3A : memref<!tpu.dma_semaphore, #tpu.memory_space<semaphore_mem>>)
      %dma_wait3A = arith.constant 0 : i32
      %dma_wait3A_25 = arith.constant 0 : i32
      %dma_wait3A_26 = tpu.memref_slice %arg5[%arg0, %dma_wait3A, %dma_wait3A_25] : memref<2x10240x128xf32, #tpu.memory_space<hbm>> -> memref<1x10240x128xf32, #tpu.memory_space<hbm>>
      %dma_wait3A_27 = tpu.memref_squeeze %dma_wait3A_26 : memref<1x10240x128xf32, #tpu.memory_space<hbm>> -> memref<10240x128xf32, #tpu.memory_space<hbm>>
      %dma_wait3A_28 = arith.constant 0 : i32
      %dma_wait3A_29 = tpu.memref_slice %dma_wait3A_27[%mul3A_0, %dma_wait3A_28] : memref<10240x128xf32, #tpu.memory_space<hbm>> -> memref<640x128xf32, #tpu.memory_space<hbm>>
      %dma_wait3A_30 = arith.constant 0 : i32
      %dma_wait3A_31 = tpu.memref_slice %arg6[%mul3A_0, %dma_wait3A_30] : memref<10240x128xf32, #tpu.memory_space<vmem_shared>> -> memref<640x128xf32, #tpu.memory_space<vmem_shared>>
      tpu.wait_dma2 semaphore(%run_scoped3A : memref<!tpu.dma_semaphore, #tpu.memory_space<semaphore_mem>>) src(%dma_wait3A_31 : memref<640x128xf32, #tpu.memory_space<vmem_shared>>) dst(%dma_wait3A_29 : memref<640x128xf32, #tpu.memory_space<hbm>>)
      tpu.yield
    }) : () -> ()
    return
  }
}

#map = affine_map<(d0, d1) -> (0, 0)>
#map1 = affine_map<(d0, d1) -> (0, 0, 0, 0)>
#map2 = affine_map<(d0, d1) -> (0, 0, 0)>
module attributes {stable_mosaic.version = 14 : i64} {
  func.func @_sc_aggregate(%arg0: i32, %arg1: i32, %arg2: memref<10240x128xf32, #tpu.memory_space<hbm>>, %arg3: memref<2x16x80x128xi32, #tpu.memory_space<hbm>>, %arg4: memref<2x16x80x128xi32, #tpu.memory_space<hbm>>, %arg5: memref<2x10240x128xf32, #tpu.memory_space<hbm>>, %arg6: memref<10240x128xf32, #tpu.memory_space<vmem_shared>>, %arg7: memref<40x128xi32, #tpu.memory_space<vmem>>, %arg8: memref<40x128xi32, #tpu.memory_space<vmem>>, %arg9: memref<128x128xf32, #tpu.memory_space<vmem>>, %arg10: memref<128x128xf32, #tpu.memory_space<vmem>>, %arg11: memref<!tpu.dma_semaphore, #tpu.memory_space<semaphore_mem>>, %arg12: memref<!tpu.dma_semaphore, #tpu.memory_space<semaphore_mem>>, %arg13: memref<!tpu.dma_semaphore, #tpu.memory_space<semaphore_mem>>) attributes {dimension_semantics = [#tpu.dimension_semantics<core_parallel>, #tpu.dimension_semantics<subcore_parallel>], iteration_bounds = array<i64: 2, 16>, scalar_prefetch = 0 : i64, scratch_operands = 8 : i64, tpu.core_type = #tpu.core_type<sc_vector_subcore>, window_params = [{transform_indices = #map}, {transform_indices = #map1}, {transform_indices = #map1}, {transform_indices = #map2}]} {
    %mul3A = arith.constant 640 : i32
    %mul3A_0 = arith.muli %arg1, %mul3A : i32
    "tpu.region"() ({
      %run_scoped3A = tpu.sem_alloc : memref<!tpu.dma_semaphore, #tpu.memory_space<semaphore_mem>>
      %dma_start3A = arith.constant 0 : i32
      %dma_start3A_7 = tpu.memref_slice %arg6[%mul3A_0, %dma_start3A] : memref<10240x128xf32, #tpu.memory_space<vmem_shared>> -> memref<640x128xf32, #tpu.memory_space<vmem_shared>>
      %dma_start3A_8 = arith.constant 0 : i32
      %dma_start3A_9 = tpu.memref_slice %arg2[%mul3A_0, %dma_start3A_8] : memref<10240x128xf32, #tpu.memory_space<hbm>> -> memref<640x128xf32, #tpu.memory_space<hbm>>
      tpu.enqueue_dma source(%dma_start3A_9 : memref<640x128xf32, #tpu.memory_space<hbm>>) target(%dma_start3A_7 : memref<640x128xf32, #tpu.memory_space<vmem_shared>>) target_semaphore(%run_scoped3A : memref<!tpu.dma_semaphore, #tpu.memory_space<semaphore_mem>>)
      %dma_wait3A = arith.constant 0 : i32
      %dma_wait3A_10 = tpu.memref_slice %arg6[%mul3A_0, %dma_wait3A] : memref<10240x128xf32, #tpu.memory_space<vmem_shared>> -> memref<640x128xf32, #tpu.memory_space<vmem_shared>>
      %dma_wait3A_11 = arith.constant 0 : i32
      %dma_wait3A_12 = tpu.memref_slice %arg2[%mul3A_0, %dma_wait3A_11] : memref<10240x128xf32, #tpu.memory_space<hbm>> -> memref<640x128xf32, #tpu.memory_space<hbm>>
      tpu.wait_dma2 semaphore(%run_scoped3A : memref<!tpu.dma_semaphore, #tpu.memory_space<semaphore_mem>>) src(%dma_wait3A_12 : memref<640x128xf32, #tpu.memory_space<hbm>>) dst(%dma_wait3A_10 : memref<640x128xf32, #tpu.memory_space<vmem_shared>>)
      tpu.yield
    }) : () -> ()
    %barrier3A = arith.constant 0 : index
    tpu.barrier barrier_id(%barrier3A)
    %scan3A = arith.constant 0 : i32
    %scan3A_1 = arith.constant 0 : i32
    %scan3A_2 = arith.constant 2 : i32
    %scan3A_3 = arith.addi %scan3A_1, %scan3A_2 : i32
    %scan3A_4 = arith.constant 1 : i32
    scf.for %scan3A_7 = %scan3A_1 to %scan3A_3 step %scan3A_4  : i32 {
      %mul3A_8 = arith.constant 40 : i32
      %mul3A_9 = arith.muli %scan3A_7, %mul3A_8 : i32
      "tpu.region"() ({
        %run_scoped3A = tpu.sem_alloc : memref<!tpu.dma_semaphore, #tpu.memory_space<semaphore_mem>>
        %dma_start3A_30 = arith.constant 0 : i32
        %dma_start3A_31 = arith.constant 0 : i32
        %dma_start3A_32 = arith.constant 0 : i32
        %dma_start3A_33 = tpu.memref_slice %arg3[%arg0, %dma_start3A_30, %dma_start3A_31, %dma_start3A_32] : memref<2x16x80x128xi32, #tpu.memory_space<hbm>> -> memref<1x16x80x128xi32, #tpu.memory_space<hbm>>
        %dma_start3A_34 = tpu.memref_squeeze %dma_start3A_33 : memref<1x16x80x128xi32, #tpu.memory_space<hbm>> -> memref<16x80x128xi32, #tpu.memory_space<hbm>>
        %dma_start3A_35 = arith.constant 0 : i32
        %dma_start3A_36 = arith.constant 0 : i32
        %dma_start3A_37 = tpu.memref_slice %dma_start3A_34[%arg1, %dma_start3A_35, %dma_start3A_36] : memref<16x80x128xi32, #tpu.memory_space<hbm>> -> memref<1x80x128xi32, #tpu.memory_space<hbm>>
        %dma_start3A_38 = tpu.memref_squeeze %dma_start3A_37 : memref<1x80x128xi32, #tpu.memory_space<hbm>> -> memref<80x128xi32, #tpu.memory_space<hbm>>
        %dma_start3A_39 = arith.constant 0 : i32
        %dma_start3A_40 = tpu.memref_slice %dma_start3A_38[%mul3A_9, %dma_start3A_39] : memref<80x128xi32, #tpu.memory_space<hbm>> -> memref<40x128xi32, #tpu.memory_space<hbm>>
        %dma_start3A_41 = arith.constant 0 : i32
        %dma_start3A_42 = arith.constant 0 : i32
        %dma_start3A_43 = arith.constant 0 : i32
        %dma_start3A_44 = tpu.memref_slice %arg3[%arg0, %dma_start3A_41, %dma_start3A_42, %dma_start3A_43] : memref<2x16x80x128xi32, #tpu.memory_space<hbm>> -> memref<1x16x80x128xi32, #tpu.memory_space<hbm>>
        %dma_start3A_45 = tpu.memref_squeeze %dma_start3A_44 : memref<1x16x80x128xi32, #tpu.memory_space<hbm>> -> memref<16x80x128xi32, #tpu.memory_space<hbm>>
        %dma_start3A_46 = arith.constant 0 : i32
        %dma_start3A_47 = arith.constant 0 : i32
        %dma_start3A_48 = tpu.memref_slice %dma_start3A_45[%arg1, %dma_start3A_46, %dma_start3A_47] : memref<16x80x128xi32, #tpu.memory_space<hbm>> -> memref<1x80x128xi32, #tpu.memory_space<hbm>>
        %dma_start3A_49 = tpu.memref_squeeze %dma_start3A_48 : memref<1x80x128xi32, #tpu.memory_space<hbm>> -> memref<80x128xi32, #tpu.memory_space<hbm>>
        %dma_start3A_50 = arith.constant 0 : i32
        %dma_start3A_51 = tpu.memref_slice %dma_start3A_49[%mul3A_9, %dma_start3A_50] : memref<80x128xi32, #tpu.memory_space<hbm>> -> memref<40x128xi32, #tpu.memory_space<hbm>>
        tpu.enqueue_dma source(%dma_start3A_51 : memref<40x128xi32, #tpu.memory_space<hbm>>) target(%arg7 : memref<40x128xi32, #tpu.memory_space<vmem>>) target_semaphore(%run_scoped3A : memref<!tpu.dma_semaphore, #tpu.memory_space<semaphore_mem>>)
        %dma_wait3A_52 = arith.constant 0 : i32
        %dma_wait3A_53 = arith.constant 0 : i32
        %dma_wait3A_54 = arith.constant 0 : i32
        %dma_wait3A_55 = tpu.memref_slice %arg3[%arg0, %dma_wait3A_52, %dma_wait3A_53, %dma_wait3A_54] : memref<2x16x80x128xi32, #tpu.memory_space<hbm>> -> memref<1x16x80x128xi32, #tpu.memory_space<hbm>>
        %dma_wait3A_56 = tpu.memref_squeeze %dma_wait3A_55 : memref<1x16x80x128xi32, #tpu.memory_space<hbm>> -> memref<16x80x128xi32, #tpu.memory_space<hbm>>
        %dma_wait3A_57 = arith.constant 0 : i32
        %dma_wait3A_58 = arith.constant 0 : i32
        %dma_wait3A_59 = tpu.memref_slice %dma_wait3A_56[%arg1, %dma_wait3A_57, %dma_wait3A_58] : memref<16x80x128xi32, #tpu.memory_space<hbm>> -> memref<1x80x128xi32, #tpu.memory_space<hbm>>
        %dma_wait3A_60 = tpu.memref_squeeze %dma_wait3A_59 : memref<1x80x128xi32, #tpu.memory_space<hbm>> -> memref<80x128xi32, #tpu.memory_space<hbm>>
        %dma_wait3A_61 = arith.constant 0 : i32
        %dma_wait3A_62 = tpu.memref_slice %dma_wait3A_60[%mul3A_9, %dma_wait3A_61] : memref<80x128xi32, #tpu.memory_space<hbm>> -> memref<40x128xi32, #tpu.memory_space<hbm>>
        %dma_wait3A_63 = arith.constant 0 : i32
        %dma_wait3A_64 = arith.constant 0 : i32
        %dma_wait3A_65 = arith.constant 0 : i32
        %dma_wait3A_66 = tpu.memref_slice %arg3[%arg0, %dma_wait3A_63, %dma_wait3A_64, %dma_wait3A_65] : memref<2x16x80x128xi32, #tpu.memory_space<hbm>> -> memref<1x16x80x128xi32, #tpu.memory_space<hbm>>
        %dma_wait3A_67 = tpu.memref_squeeze %dma_wait3A_66 : memref<1x16x80x128xi32, #tpu.memory_space<hbm>> -> memref<16x80x128xi32, #tpu.memory_space<hbm>>
        %dma_wait3A_68 = arith.constant 0 : i32
        %dma_wait3A_69 = arith.constant 0 : i32
        %dma_wait3A_70 = tpu.memref_slice %dma_wait3A_67[%arg1, %dma_wait3A_68, %dma_wait3A_69] : memref<16x80x128xi32, #tpu.memory_space<hbm>> -> memref<1x80x128xi32, #tpu.memory_space<hbm>>
        %dma_wait3A_71 = tpu.memref_squeeze %dma_wait3A_70 : memref<1x80x128xi32, #tpu.memory_space<hbm>> -> memref<80x128xi32, #tpu.memory_space<hbm>>
        %dma_wait3A_72 = arith.constant 0 : i32
        %dma_wait3A_73 = tpu.memref_slice %dma_wait3A_71[%mul3A_9, %dma_wait3A_72] : memref<80x128xi32, #tpu.memory_space<hbm>> -> memref<40x128xi32, #tpu.memory_space<hbm>>
        tpu.wait_dma2 semaphore(%run_scoped3A : memref<!tpu.dma_semaphore, #tpu.memory_space<semaphore_mem>>) src(%dma_wait3A_73 : memref<40x128xi32, #tpu.memory_space<hbm>>) dst(%arg7 : memref<40x128xi32, #tpu.memory_space<vmem>>)
        tpu.yield
      }) : () -> ()
      %mul3A_10 = arith.constant 40 : i32
      %mul3A_11 = arith.muli %scan3A_7, %mul3A_10 : i32
      "tpu.region"() ({
        %run_scoped3A = tpu.sem_alloc : memref<!tpu.dma_semaphore, #tpu.memory_space<semaphore_mem>>
        %dma_start3A_30 = arith.constant 0 : i32
        %dma_start3A_31 = arith.constant 0 : i32
        %dma_start3A_32 = arith.constant 0 : i32
        %dma_start3A_33 = tpu.memref_slice %arg4[%arg0, %dma_start3A_30, %dma_start3A_31, %dma_start3A_32] : memref<2x16x80x128xi32, #tpu.memory_space<hbm>> -> memref<1x16x80x128xi32, #tpu.memory_space<hbm>>
        %dma_start3A_34 = tpu.memref_squeeze %dma_start3A_33 : memref<1x16x80x128xi32, #tpu.memory_space<hbm>> -> memref<16x80x128xi32, #tpu.memory_space<hbm>>
        %dma_start3A_35 = arith.constant 0 : i32
        %dma_start3A_36 = arith.constant 0 : i32
        %dma_start3A_37 = tpu.memref_slice %dma_start3A_34[%arg1, %dma_start3A_35, %dma_start3A_36] : memref<16x80x128xi32, #tpu.memory_space<hbm>> -> memref<1x80x128xi32, #tpu.memory_space<hbm>>
        %dma_start3A_38 = tpu.memref_squeeze %dma_start3A_37 : memref<1x80x128xi32, #tpu.memory_space<hbm>> -> memref<80x128xi32, #tpu.memory_space<hbm>>
        %dma_start3A_39 = arith.constant 0 : i32
        %dma_start3A_40 = tpu.memref_slice %dma_start3A_38[%mul3A_11, %dma_start3A_39] : memref<80x128xi32, #tpu.memory_space<hbm>> -> memref<40x128xi32, #tpu.memory_space<hbm>>
        %dma_start3A_41 = arith.constant 0 : i32
        %dma_start3A_42 = arith.constant 0 : i32
        %dma_start3A_43 = arith.constant 0 : i32
        %dma_start3A_44 = tpu.memref_slice %arg4[%arg0, %dma_start3A_41, %dma_start3A_42, %dma_start3A_43] : memref<2x16x80x128xi32, #tpu.memory_space<hbm>> -> memref<1x16x80x128xi32, #tpu.memory_space<hbm>>
        %dma_start3A_45 = tpu.memref_squeeze %dma_start3A_44 : memref<1x16x80x128xi32, #tpu.memory_space<hbm>> -> memref<16x80x128xi32, #tpu.memory_space<hbm>>
        %dma_start3A_46 = arith.constant 0 : i32
        %dma_start3A_47 = arith.constant 0 : i32
        %dma_start3A_48 = tpu.memref_slice %dma_start3A_45[%arg1, %dma_start3A_46, %dma_start3A_47] : memref<16x80x128xi32, #tpu.memory_space<hbm>> -> memref<1x80x128xi32, #tpu.memory_space<hbm>>
        %dma_start3A_49 = tpu.memref_squeeze %dma_start3A_48 : memref<1x80x128xi32, #tpu.memory_space<hbm>> -> memref<80x128xi32, #tpu.memory_space<hbm>>
        %dma_start3A_50 = arith.constant 0 : i32
        %dma_start3A_51 = tpu.memref_slice %dma_start3A_49[%mul3A_11, %dma_start3A_50] : memref<80x128xi32, #tpu.memory_space<hbm>> -> memref<40x128xi32, #tpu.memory_space<hbm>>
        tpu.enqueue_dma source(%dma_start3A_51 : memref<40x128xi32, #tpu.memory_space<hbm>>) target(%arg8 : memref<40x128xi32, #tpu.memory_space<vmem>>) target_semaphore(%run_scoped3A : memref<!tpu.dma_semaphore, #tpu.memory_space<semaphore_mem>>)
        %dma_wait3A_52 = arith.constant 0 : i32
        %dma_wait3A_53 = arith.constant 0 : i32
        %dma_wait3A_54 = arith.constant 0 : i32
        %dma_wait3A_55 = tpu.memref_slice %arg4[%arg0, %dma_wait3A_52, %dma_wait3A_53, %dma_wait3A_54] : memref<2x16x80x128xi32, #tpu.memory_space<hbm>> -> memref<1x16x80x128xi32, #tpu.memory_space<hbm>>
        %dma_wait3A_56 = tpu.memref_squeeze %dma_wait3A_55 : memref<1x16x80x128xi32, #tpu.memory_space<hbm>> -> memref<16x80x128xi32, #tpu.memory_space<hbm>>
        %dma_wait3A_57 = arith.constant 0 : i32
        %dma_wait3A_58 = arith.constant 0 : i32
        %dma_wait3A_59 = tpu.memref_slice %dma_wait3A_56[%arg1, %dma_wait3A_57, %dma_wait3A_58] : memref<16x80x128xi32, #tpu.memory_space<hbm>> -> memref<1x80x128xi32, #tpu.memory_space<hbm>>
        %dma_wait3A_60 = tpu.memref_squeeze %dma_wait3A_59 : memref<1x80x128xi32, #tpu.memory_space<hbm>> -> memref<80x128xi32, #tpu.memory_space<hbm>>
        %dma_wait3A_61 = arith.constant 0 : i32
        %dma_wait3A_62 = tpu.memref_slice %dma_wait3A_60[%mul3A_11, %dma_wait3A_61] : memref<80x128xi32, #tpu.memory_space<hbm>> -> memref<40x128xi32, #tpu.memory_space<hbm>>
        %dma_wait3A_63 = arith.constant 0 : i32
        %dma_wait3A_64 = arith.constant 0 : i32
        %dma_wait3A_65 = arith.constant 0 : i32
        %dma_wait3A_66 = tpu.memref_slice %arg4[%arg0, %dma_wait3A_63, %dma_wait3A_64, %dma_wait3A_65] : memref<2x16x80x128xi32, #tpu.memory_space<hbm>> -> memref<1x16x80x128xi32, #tpu.memory_space<hbm>>
        %dma_wait3A_67 = tpu.memref_squeeze %dma_wait3A_66 : memref<1x16x80x128xi32, #tpu.memory_space<hbm>> -> memref<16x80x128xi32, #tpu.memory_space<hbm>>
        %dma_wait3A_68 = arith.constant 0 : i32
        %dma_wait3A_69 = arith.constant 0 : i32
        %dma_wait3A_70 = tpu.memref_slice %dma_wait3A_67[%arg1, %dma_wait3A_68, %dma_wait3A_69] : memref<16x80x128xi32, #tpu.memory_space<hbm>> -> memref<1x80x128xi32, #tpu.memory_space<hbm>>
        %dma_wait3A_71 = tpu.memref_squeeze %dma_wait3A_70 : memref<1x80x128xi32, #tpu.memory_space<hbm>> -> memref<80x128xi32, #tpu.memory_space<hbm>>
        %dma_wait3A_72 = arith.constant 0 : i32
        %dma_wait3A_73 = tpu.memref_slice %dma_wait3A_71[%mul3A_11, %dma_wait3A_72] : memref<80x128xi32, #tpu.memory_space<hbm>> -> memref<40x128xi32, #tpu.memory_space<hbm>>
        tpu.wait_dma2 semaphore(%run_scoped3A : memref<!tpu.dma_semaphore, #tpu.memory_space<semaphore_mem>>) src(%dma_wait3A_73 : memref<40x128xi32, #tpu.memory_space<hbm>>) dst(%arg8 : memref<40x128xi32, #tpu.memory_space<vmem>>)
        tpu.yield
      }) : () -> ()
      %dma_start3A = arith.constant 0 : i32
      %dma_start3A_12 = arith.constant 0 : i32
      %dma_start3A_13 = tpu.memref_slice %arg7[%dma_start3A, %dma_start3A_12] : memref<40x128xi32, #tpu.memory_space<vmem>> -> memref<1x128xi32, #tpu.memory_space<vmem>>
      %dma_start3A_14 = tpu.memref_squeeze %dma_start3A_13 : memref<1x128xi32, #tpu.memory_space<vmem>> -> memref<128xi32, #tpu.memory_space<vmem>>
      %dma_start3A_15 = arith.constant 0 : i32
      %dma_start3A_16 = arith.constant 0 : i32
      %dma_start3A_17 = tpu.memref_slice %arg2[%dma_start3A_15, %dma_start3A_16] : memref<10240x128xf32, #tpu.memory_space<hbm>> -> memref<10240x128xf32, #tpu.memory_space<hbm>>
      tpu.enqueue_indirect_dma source(%dma_start3A_17 : memref<10240x128xf32, #tpu.memory_space<hbm>>) target(%arg9 : memref<128x128xf32, #tpu.memory_space<vmem>>) offsets(%dma_start3A_14 : memref<128xi32, #tpu.memory_space<vmem>>) semaphore(%arg11 : memref<!tpu.dma_semaphore, #tpu.memory_space<semaphore_mem>>)
      %scan3A_18 = arith.constant 0 : i32
      %scan3A_19 = arith.constant 0 : i32
      %scan3A_20 = arith.constant 20 : i32
      %scan3A_21 = arith.addi %scan3A_19, %scan3A_20 : i32
      %scan3A_22 = arith.constant 1 : i32
      scf.for %scan3A_30 = %scan3A_19 to %scan3A_21 step %scan3A_22  : i32 {
        %mul3A_31 = arith.constant 2 : i32
        %mul3A_32 = arith.muli %mul3A_31, %scan3A_30 : i32
        %add3A = arith.constant 1 : i32
        %add3A_33 = arith.addi %mul3A_32, %add3A : i32
        %dma_wait3A_34 = arith.constant 0 : i32
        %dma_wait3A_35 = tpu.memref_slice %arg7[%mul3A_32, %dma_wait3A_34] : memref<40x128xi32, #tpu.memory_space<vmem>> -> memref<1x128xi32, #tpu.memory_space<vmem>>
        %dma_wait3A_36 = tpu.memref_squeeze %dma_wait3A_35 : memref<1x128xi32, #tpu.memory_space<vmem>> -> memref<128xi32, #tpu.memory_space<vmem>>
        %dma_wait3A_37 = arith.constant 0 : i32
        %dma_wait3A_38 = arith.constant 0 : i32
        %dma_wait3A_39 = tpu.memref_slice %arg2[%dma_wait3A_37, %dma_wait3A_38] : memref<10240x128xf32, #tpu.memory_space<hbm>> -> memref<10240x128xf32, #tpu.memory_space<hbm>>
        tpu.wait_indirect_dma semaphore(%arg11 : memref<!tpu.dma_semaphore, #tpu.memory_space<semaphore_mem>>) src(%dma_wait3A_39 : memref<10240x128xf32, #tpu.memory_space<hbm>>) dst(%arg9 : memref<128x128xf32, #tpu.memory_space<vmem>>)
        %dma_start3A_40 = arith.constant 0 : i32
        %dma_start3A_41 = tpu.memref_slice %arg8[%mul3A_32, %dma_start3A_40] : memref<40x128xi32, #tpu.memory_space<vmem>> -> memref<1x128xi32, #tpu.memory_space<vmem>>
        %dma_start3A_42 = tpu.memref_squeeze %dma_start3A_41 : memref<1x128xi32, #tpu.memory_space<vmem>> -> memref<128xi32, #tpu.memory_space<vmem>>
        %dma_start3A_43 = arith.constant 0 : i32
        %dma_start3A_44 = arith.constant 0 : i32
        %dma_start3A_45 = tpu.memref_slice %arg6[%dma_start3A_43, %dma_start3A_44] : memref<10240x128xf32, #tpu.memory_space<vmem_shared>> -> memref<10240x128xf32, #tpu.memory_space<vmem_shared>>
        tpu.enqueue_indirect_dma source(%arg9 : memref<128x128xf32, #tpu.memory_space<vmem>>) target(%dma_start3A_45 : memref<10240x128xf32, #tpu.memory_space<vmem_shared>>) offsets(%dma_start3A_42 : memref<128xi32, #tpu.memory_space<vmem>>) semaphore(%arg13 : memref<!tpu.dma_semaphore, #tpu.memory_space<semaphore_mem>>) {add = true}
        %gt3A = arith.constant 0 : i32
        %gt3A_46 = arith.cmpi sgt, %scan3A_30, %gt3A : i32
        %convert_element_type3A = arith.extui %gt3A_46 : i1 to i32
        %cond3A = arith.constant 0 : i32
        %cond3A_47 = arith.cmpi ne, %convert_element_type3A, %cond3A : i32
        scf.if %cond3A_47 {
          %sub3A = arith.constant 1 : i32
          %sub3A_76 = arith.subi %mul3A_32, %sub3A : i32
          %dma_wait3A_77 = arith.constant 0 : i32
          %dma_wait3A_78 = tpu.memref_slice %arg8[%sub3A_76, %dma_wait3A_77] : memref<40x128xi32, #tpu.memory_space<vmem>> -> memref<1x128xi32, #tpu.memory_space<vmem>>
          %dma_wait3A_79 = tpu.memref_squeeze %dma_wait3A_78 : memref<1x128xi32, #tpu.memory_space<vmem>> -> memref<128xi32, #tpu.memory_space<vmem>>
          %dma_wait3A_80 = arith.constant 0 : i32
          %dma_wait3A_81 = arith.constant 0 : i32
          %dma_wait3A_82 = tpu.memref_slice %arg6[%dma_wait3A_80, %dma_wait3A_81] : memref<10240x128xf32, #tpu.memory_space<vmem_shared>> -> memref<10240x128xf32, #tpu.memory_space<vmem_shared>>
          tpu.wait_indirect_dma semaphore(%arg13 : memref<!tpu.dma_semaphore, #tpu.memory_space<semaphore_mem>>) src(%arg10 : memref<128x128xf32, #tpu.memory_space<vmem>>) dst(%dma_wait3A_82 : memref<10240x128xf32, #tpu.memory_space<vmem_shared>>)
        } else {
        }
        %dma_start3A_48 = arith.constant 0 : i32
        %dma_start3A_49 = tpu.memref_slice %arg7[%add3A_33, %dma_start3A_48] : memref<40x128xi32, #tpu.memory_space<vmem>> -> memref<1x128xi32, #tpu.memory_space<vmem>>
        %dma_start3A_50 = tpu.memref_squeeze %dma_start3A_49 : memref<1x128xi32, #tpu.memory_space<vmem>> -> memref<128xi32, #tpu.memory_space<vmem>>
        %dma_start3A_51 = arith.constant 0 : i32
        %dma_start3A_52 = arith.constant 0 : i32
        %dma_start3A_53 = tpu.memref_slice %arg2[%dma_start3A_51, %dma_start3A_52] : memref<10240x128xf32, #tpu.memory_space<hbm>> -> memref<10240x128xf32, #tpu.memory_space<hbm>>
        tpu.enqueue_indirect_dma source(%dma_start3A_53 : memref<10240x128xf32, #tpu.memory_space<hbm>>) target(%arg10 : memref<128x128xf32, #tpu.memory_space<vmem>>) offsets(%dma_start3A_50 : memref<128xi32, #tpu.memory_space<vmem>>) semaphore(%arg12 : memref<!tpu.dma_semaphore, #tpu.memory_space<semaphore_mem>>)
        %dma_wait3A_54 = arith.constant 0 : i32
        %dma_wait3A_55 = tpu.memref_slice %arg7[%add3A_33, %dma_wait3A_54] : memref<40x128xi32, #tpu.memory_space<vmem>> -> memref<1x128xi32, #tpu.memory_space<vmem>>
        %dma_wait3A_56 = tpu.memref_squeeze %dma_wait3A_55 : memref<1x128xi32, #tpu.memory_space<vmem>> -> memref<128xi32, #tpu.memory_space<vmem>>
        %dma_wait3A_57 = arith.constant 0 : i32
        %dma_wait3A_58 = arith.constant 0 : i32
        %dma_wait3A_59 = tpu.memref_slice %arg2[%dma_wait3A_57, %dma_wait3A_58] : memref<10240x128xf32, #tpu.memory_space<hbm>> -> memref<10240x128xf32, #tpu.memory_space<hbm>>
        tpu.wait_indirect_dma semaphore(%arg12 : memref<!tpu.dma_semaphore, #tpu.memory_space<semaphore_mem>>) src(%dma_wait3A_59 : memref<10240x128xf32, #tpu.memory_space<hbm>>) dst(%arg10 : memref<128x128xf32, #tpu.memory_space<vmem>>)
        %dma_start3A_60 = arith.constant 0 : i32
        %dma_start3A_61 = tpu.memref_slice %arg8[%add3A_33, %dma_start3A_60] : memref<40x128xi32, #tpu.memory_space<vmem>> -> memref<1x128xi32, #tpu.memory_space<vmem>>
        %dma_start3A_62 = tpu.memref_squeeze %dma_start3A_61 : memref<1x128xi32, #tpu.memory_space<vmem>> -> memref<128xi32, #tpu.memory_space<vmem>>
        %dma_start3A_63 = arith.constant 0 : i32
        %dma_start3A_64 = arith.constant 0 : i32
        %dma_start3A_65 = tpu.memref_slice %arg6[%dma_start3A_63, %dma_start3A_64] : memref<10240x128xf32, #tpu.memory_space<vmem_shared>> -> memref<10240x128xf32, #tpu.memory_space<vmem_shared>>
        tpu.enqueue_indirect_dma source(%arg10 : memref<128x128xf32, #tpu.memory_space<vmem>>) target(%dma_start3A_65 : memref<10240x128xf32, #tpu.memory_space<vmem_shared>>) offsets(%dma_start3A_62 : memref<128xi32, #tpu.memory_space<vmem>>) semaphore(%arg13 : memref<!tpu.dma_semaphore, #tpu.memory_space<semaphore_mem>>) {add = true}
        %dma_wait3A_66 = arith.constant 0 : i32
        %dma_wait3A_67 = tpu.memref_slice %arg8[%mul3A_32, %dma_wait3A_66] : memref<40x128xi32, #tpu.memory_space<vmem>> -> memref<1x128xi32, #tpu.memory_space<vmem>>
        %dma_wait3A_68 = tpu.memref_squeeze %dma_wait3A_67 : memref<1x128xi32, #tpu.memory_space<vmem>> -> memref<128xi32, #tpu.memory_space<vmem>>
        %dma_wait3A_69 = arith.constant 0 : i32
        %dma_wait3A_70 = arith.constant 0 : i32
        %dma_wait3A_71 = tpu.memref_slice %arg6[%dma_wait3A_69, %dma_wait3A_70] : memref<10240x128xf32, #tpu.memory_space<vmem_shared>> -> memref<10240x128xf32, #tpu.memory_space<vmem_shared>>
        tpu.wait_indirect_dma semaphore(%arg13 : memref<!tpu.dma_semaphore, #tpu.memory_space<semaphore_mem>>) src(%arg9 : memref<128x128xf32, #tpu.memory_space<vmem>>) dst(%dma_wait3A_71 : memref<10240x128xf32, #tpu.memory_space<vmem_shared>>)
        %lt3A = arith.constant 19 : i32
        %lt3A_72 = arith.cmpi slt, %scan3A_30, %lt3A : i32
        %convert_element_type3A_73 = arith.extui %lt3A_72 : i1 to i32
        %cond3A_74 = arith.constant 0 : i32
        %cond3A_75 = arith.cmpi ne, %convert_element_type3A_73, %cond3A_74 : i32
        scf.if %cond3A_75 {
          %add3A_76 = arith.constant 2 : i32
          %add3A_77 = arith.addi %mul3A_32, %add3A_76 : i32
          %dma_start3A_78 = arith.constant 0 : i32
          %dma_start3A_79 = tpu.memref_slice %arg7[%add3A_77, %dma_start3A_78] : memref<40x128xi32, #tpu.memory_space<vmem>> -> memref<1x128xi32, #tpu.memory_space<vmem>>
          %dma_start3A_80 = tpu.memref_squeeze %dma_start3A_79 : memref<1x128xi32, #tpu.memory_space<vmem>> -> memref<128xi32, #tpu.memory_space<vmem>>
          %dma_start3A_81 = arith.constant 0 : i32
          %dma_start3A_82 = arith.constant 0 : i32
          %dma_start3A_83 = tpu.memref_slice %arg2[%dma_start3A_81, %dma_start3A_82] : memref<10240x128xf32, #tpu.memory_space<hbm>> -> memref<10240x128xf32, #tpu.memory_space<hbm>>
          tpu.enqueue_indirect_dma source(%dma_start3A_83 : memref<10240x128xf32, #tpu.memory_space<hbm>>) target(%arg9 : memref<128x128xf32, #tpu.memory_space<vmem>>) offsets(%dma_start3A_80 : memref<128xi32, #tpu.memory_space<vmem>>) semaphore(%arg11 : memref<!tpu.dma_semaphore, #tpu.memory_space<semaphore_mem>>)
        } else {
        }
      }
      %scan3A_23 = arith.constant 20 : i32
      %dma_wait3A = arith.constant 39 : i32
      %dma_wait3A_24 = arith.constant 0 : i32
      %dma_wait3A_25 = tpu.memref_slice %arg8[%dma_wait3A, %dma_wait3A_24] : memref<40x128xi32, #tpu.memory_space<vmem>> -> memref<1x128xi32, #tpu.memory_space<vmem>>
      %dma_wait3A_26 = tpu.memref_squeeze %dma_wait3A_25 : memref<1x128xi32, #tpu.memory_space<vmem>> -> memref<128xi32, #tpu.memory_space<vmem>>
      %dma_wait3A_27 = arith.constant 0 : i32
      %dma_wait3A_28 = arith.constant 0 : i32
      %dma_wait3A_29 = tpu.memref_slice %arg6[%dma_wait3A_27, %dma_wait3A_28] : memref<10240x128xf32, #tpu.memory_space<vmem_shared>> -> memref<10240x128xf32, #tpu.memory_space<vmem_shared>>
      tpu.wait_indirect_dma semaphore(%arg13 : memref<!tpu.dma_semaphore, #tpu.memory_space<semaphore_mem>>) src(%arg10 : memref<128x128xf32, #tpu.memory_space<vmem>>) dst(%dma_wait3A_29 : memref<10240x128xf32, #tpu.memory_space<vmem_shared>>)
    }
    %scan3A_5 = arith.constant 2 : i32
    %barrier3A_6 = arith.constant 0 : index
    tpu.barrier barrier_id(%barrier3A_6)
    "tpu.region"() ({
      %run_scoped3A = tpu.sem_alloc : memref<!tpu.dma_semaphore, #tpu.memory_space<semaphore_mem>>
      %dma_start3A = arith.constant 0 : i32
      %dma_start3A_7 = arith.constant 0 : i32
      %dma_start3A_8 = tpu.memref_slice %arg5[%arg0, %dma_start3A, %dma_start3A_7] : memref<2x10240x128xf32, #tpu.memory_space<hbm>> -> memref<1x10240x128xf32, #tpu.memory_space<hbm>>
      %dma_start3A_9 = tpu.memref_squeeze %dma_start3A_8 : memref<1x10240x128xf32, #tpu.memory_space<hbm>> -> memref<10240x128xf32, #tpu.memory_space<hbm>>
      %dma_start3A_10 = arith.constant 0 : i32
      %dma_start3A_11 = tpu.memref_slice %dma_start3A_9[%mul3A_0, %dma_start3A_10] : memref<10240x128xf32, #tpu.memory_space<hbm>> -> memref<640x128xf32, #tpu.memory_space<hbm>>
      %dma_start3A_12 = arith.constant 0 : i32
      %dma_start3A_13 = tpu.memref_slice %arg6[%mul3A_0, %dma_start3A_12] : memref<10240x128xf32, #tpu.memory_space<vmem_shared>> -> memref<640x128xf32, #tpu.memory_space<vmem_shared>>
      tpu.enqueue_dma source(%dma_start3A_13 : memref<640x128xf32, #tpu.memory_space<vmem_shared>>) target(%dma_start3A_11 : memref<640x128xf32, #tpu.memory_space<hbm>>) target_semaphore(%run_scoped3A : memref<!tpu.dma_semaphore, #tpu.memory_space<semaphore_mem>>)
      %dma_wait3A = arith.constant 0 : i32
      %dma_wait3A_14 = arith.constant 0 : i32
      %dma_wait3A_15 = tpu.memref_slice %arg5[%arg0, %dma_wait3A, %dma_wait3A_14] : memref<2x10240x128xf32, #tpu.memory_space<hbm>> -> memref<1x10240x128xf32, #tpu.memory_space<hbm>>
      %dma_wait3A_16 = tpu.memref_squeeze %dma_wait3A_15 : memref<1x10240x128xf32, #tpu.memory_space<hbm>> -> memref<10240x128xf32, #tpu.memory_space<hbm>>
      %dma_wait3A_17 = arith.constant 0 : i32
      %dma_wait3A_18 = tpu.memref_slice %dma_wait3A_16[%mul3A_0, %dma_wait3A_17] : memref<10240x128xf32, #tpu.memory_space<hbm>> -> memref<640x128xf32, #tpu.memory_space<hbm>>
      %dma_wait3A_19 = arith.constant 0 : i32
      %dma_wait3A_20 = tpu.memref_slice %arg6[%mul3A_0, %dma_wait3A_19] : memref<10240x128xf32, #tpu.memory_space<vmem_shared>> -> memref<640x128xf32, #tpu.memory_space<vmem_shared>>
      tpu.wait_dma2 semaphore(%run_scoped3A : memref<!tpu.dma_semaphore, #tpu.memory_space<semaphore_mem>>) src(%dma_wait3A_20 : memref<640x128xf32, #tpu.memory_space<vmem_shared>>) dst(%dma_wait3A_18 : memref<640x128xf32, #tpu.memory_space<hbm>>)
      tpu.yield
    }) : () -> ()
    return
  }
}

#map = affine_map<(d0, d1) -> (0, 0)>
#map1 = affine_map<(d0, d1) -> (0, 0, 0, 0)>
#map2 = affine_map<(d0, d1) -> (0, 0, 0)>
module attributes {stable_mosaic.version = 14 : i64} {
  func.func @_sc_aggregate(%arg0: i32, %arg1: i32, %arg2: memref<10240x128xf32, #tpu.memory_space<hbm>>, %arg3: memref<2x16x80x128xi32, #tpu.memory_space<hbm>>, %arg4: memref<2x16x80x128xi32, #tpu.memory_space<hbm>>, %arg5: memref<2x10240x128xf32, #tpu.memory_space<hbm>>, %arg6: memref<10240x128xf32, #tpu.memory_space<vmem_shared>>, %arg7: memref<40x128xi32, #tpu.memory_space<vmem>>, %arg8: memref<40x128xi32, #tpu.memory_space<vmem>>, %arg9: memref<128x128xf32, #tpu.memory_space<vmem>>, %arg10: memref<128x128xf32, #tpu.memory_space<vmem>>, %arg11: memref<!tpu.dma_semaphore, #tpu.memory_space<semaphore_mem>>, %arg12: memref<!tpu.dma_semaphore, #tpu.memory_space<semaphore_mem>>, %arg13: memref<!tpu.dma_semaphore, #tpu.memory_space<semaphore_mem>>) attributes {dimension_semantics = [#tpu.dimension_semantics<core_parallel>, #tpu.dimension_semantics<subcore_parallel>], iteration_bounds = array<i64: 2, 16>, scalar_prefetch = 0 : i64, scratch_operands = 8 : i64, tpu.core_type = #tpu.core_type<sc_vector_subcore>, window_params = [{transform_indices = #map}, {transform_indices = #map1}, {transform_indices = #map1}, {transform_indices = #map2}]} {
    %mul3A = arith.constant 640 : i32
    %mul3A_0 = arith.muli %arg1, %mul3A : i32
    "tpu.region"() ({
      %run_scoped3A = tpu.sem_alloc : memref<!tpu.dma_semaphore, #tpu.memory_space<semaphore_mem>>
      %dma_start3A = arith.constant 0 : i32
      %dma_start3A_7 = tpu.memref_slice %arg6[%mul3A_0, %dma_start3A] : memref<10240x128xf32, #tpu.memory_space<vmem_shared>> -> memref<640x128xf32, #tpu.memory_space<vmem_shared>>
      %dma_start3A_8 = arith.constant 0 : i32
      %dma_start3A_9 = tpu.memref_slice %arg2[%mul3A_0, %dma_start3A_8] : memref<10240x128xf32, #tpu.memory_space<hbm>> -> memref<640x128xf32, #tpu.memory_space<hbm>>
      tpu.enqueue_dma source(%dma_start3A_9 : memref<640x128xf32, #tpu.memory_space<hbm>>) target(%dma_start3A_7 : memref<640x128xf32, #tpu.memory_space<vmem_shared>>) target_semaphore(%run_scoped3A : memref<!tpu.dma_semaphore, #tpu.memory_space<semaphore_mem>>)
      %dma_wait3A = arith.constant 0 : i32
      %dma_wait3A_10 = tpu.memref_slice %arg6[%mul3A_0, %dma_wait3A] : memref<10240x128xf32, #tpu.memory_space<vmem_shared>> -> memref<640x128xf32, #tpu.memory_space<vmem_shared>>
      %dma_wait3A_11 = arith.constant 0 : i32
      %dma_wait3A_12 = tpu.memref_slice %arg2[%mul3A_0, %dma_wait3A_11] : memref<10240x128xf32, #tpu.memory_space<hbm>> -> memref<640x128xf32, #tpu.memory_space<hbm>>
      tpu.wait_dma2 semaphore(%run_scoped3A : memref<!tpu.dma_semaphore, #tpu.memory_space<semaphore_mem>>) src(%dma_wait3A_12 : memref<640x128xf32, #tpu.memory_space<hbm>>) dst(%dma_wait3A_10 : memref<640x128xf32, #tpu.memory_space<vmem_shared>>)
      tpu.yield
    }) : () -> ()
    %barrier3A = arith.constant 0 : index
    tpu.barrier barrier_id(%barrier3A)
    %scan3A = arith.constant 0 : i32
    %scan3A_1 = arith.constant 0 : i32
    %scan3A_2 = arith.constant 2 : i32
    %scan3A_3 = arith.addi %scan3A_1, %scan3A_2 : i32
    %scan3A_4 = arith.constant 1 : i32
    scf.for %scan3A_7 = %scan3A_1 to %scan3A_3 step %scan3A_4  : i32 {
      %mul3A_8 = arith.constant 40 : i32
      %mul3A_9 = arith.muli %scan3A_7, %mul3A_8 : i32
      "tpu.region"() ({
        %run_scoped3A = tpu.sem_alloc : memref<!tpu.dma_semaphore, #tpu.memory_space<semaphore_mem>>
        %dma_start3A_30 = arith.constant 0 : i32
        %dma_start3A_31 = arith.constant 0 : i32
        %dma_start3A_32 = arith.constant 0 : i32
        %dma_start3A_33 = tpu.memref_slice %arg3[%arg0, %dma_start3A_30, %dma_start3A_31, %dma_start3A_32] : memref<2x16x80x128xi32, #tpu.memory_space<hbm>> -> memref<1x16x80x128xi32, #tpu.memory_space<hbm>>
        %dma_start3A_34 = tpu.memref_squeeze %dma_start3A_33 : memref<1x16x80x128xi32, #tpu.memory_space<hbm>> -> memref<16x80x128xi32, #tpu.memory_space<hbm>>
        %dma_start3A_35 = arith.constant 0 : i32
        %dma_start3A_36 = arith.constant 0 : i32
        %dma_start3A_37 = tpu.memref_slice %dma_start3A_34[%arg1, %dma_start3A_35, %dma_start3A_36] : memref<16x80x128xi32, #tpu.memory_space<hbm>> -> memref<1x80x128xi32, #tpu.memory_space<hbm>>
        %dma_start3A_38 = tpu.memref_squeeze %dma_start3A_37 : memref<1x80x128xi32, #tpu.memory_space<hbm>> -> memref<80x128xi32, #tpu.memory_space<hbm>>
        %dma_start3A_39 = arith.constant 0 : i32
        %dma_start3A_40 = tpu.memref_slice %dma_start3A_38[%mul3A_9, %dma_start3A_39] : memref<80x128xi32, #tpu.memory_space<hbm>> -> memref<40x128xi32, #tpu.memory_space<hbm>>
        %dma_start3A_41 = arith.constant 0 : i32
        %dma_start3A_42 = arith.constant 0 : i32
        %dma_start3A_43 = arith.constant 0 : i32
        %dma_start3A_44 = tpu.memref_slice %arg3[%arg0, %dma_start3A_41, %dma_start3A_42, %dma_start3A_43] : memref<2x16x80x128xi32, #tpu.memory_space<hbm>> -> memref<1x16x80x128xi32, #tpu.memory_space<hbm>>
        %dma_start3A_45 = tpu.memref_squeeze %dma_start3A_44 : memref<1x16x80x128xi32, #tpu.memory_space<hbm>> -> memref<16x80x128xi32, #tpu.memory_space<hbm>>
        %dma_start3A_46 = arith.constant 0 : i32
        %dma_start3A_47 = arith.constant 0 : i32
        %dma_start3A_48 = tpu.memref_slice %dma_start3A_45[%arg1, %dma_start3A_46, %dma_start3A_47] : memref<16x80x128xi32, #tpu.memory_space<hbm>> -> memref<1x80x128xi32, #tpu.memory_space<hbm>>
        %dma_start3A_49 = tpu.memref_squeeze %dma_start3A_48 : memref<1x80x128xi32, #tpu.memory_space<hbm>> -> memref<80x128xi32, #tpu.memory_space<hbm>>
        %dma_start3A_50 = arith.constant 0 : i32
        %dma_start3A_51 = tpu.memref_slice %dma_start3A_49[%mul3A_9, %dma_start3A_50] : memref<80x128xi32, #tpu.memory_space<hbm>> -> memref<40x128xi32, #tpu.memory_space<hbm>>
        tpu.enqueue_dma source(%dma_start3A_51 : memref<40x128xi32, #tpu.memory_space<hbm>>) target(%arg7 : memref<40x128xi32, #tpu.memory_space<vmem>>) target_semaphore(%run_scoped3A : memref<!tpu.dma_semaphore, #tpu.memory_space<semaphore_mem>>)
        %dma_wait3A_52 = arith.constant 0 : i32
        %dma_wait3A_53 = arith.constant 0 : i32
        %dma_wait3A_54 = arith.constant 0 : i32
        %dma_wait3A_55 = tpu.memref_slice %arg3[%arg0, %dma_wait3A_52, %dma_wait3A_53, %dma_wait3A_54] : memref<2x16x80x128xi32, #tpu.memory_space<hbm>> -> memref<1x16x80x128xi32, #tpu.memory_space<hbm>>
        %dma_wait3A_56 = tpu.memref_squeeze %dma_wait3A_55 : memref<1x16x80x128xi32, #tpu.memory_space<hbm>> -> memref<16x80x128xi32, #tpu.memory_space<hbm>>
        %dma_wait3A_57 = arith.constant 0 : i32
        %dma_wait3A_58 = arith.constant 0 : i32
        %dma_wait3A_59 = tpu.memref_slice %dma_wait3A_56[%arg1, %dma_wait3A_57, %dma_wait3A_58] : memref<16x80x128xi32, #tpu.memory_space<hbm>> -> memref<1x80x128xi32, #tpu.memory_space<hbm>>
        %dma_wait3A_60 = tpu.memref_squeeze %dma_wait3A_59 : memref<1x80x128xi32, #tpu.memory_space<hbm>> -> memref<80x128xi32, #tpu.memory_space<hbm>>
        %dma_wait3A_61 = arith.constant 0 : i32
        %dma_wait3A_62 = tpu.memref_slice %dma_wait3A_60[%mul3A_9, %dma_wait3A_61] : memref<80x128xi32, #tpu.memory_space<hbm>> -> memref<40x128xi32, #tpu.memory_space<hbm>>
        %dma_wait3A_63 = arith.constant 0 : i32
        %dma_wait3A_64 = arith.constant 0 : i32
        %dma_wait3A_65 = arith.constant 0 : i32
        %dma_wait3A_66 = tpu.memref_slice %arg3[%arg0, %dma_wait3A_63, %dma_wait3A_64, %dma_wait3A_65] : memref<2x16x80x128xi32, #tpu.memory_space<hbm>> -> memref<1x16x80x128xi32, #tpu.memory_space<hbm>>
        %dma_wait3A_67 = tpu.memref_squeeze %dma_wait3A_66 : memref<1x16x80x128xi32, #tpu.memory_space<hbm>> -> memref<16x80x128xi32, #tpu.memory_space<hbm>>
        %dma_wait3A_68 = arith.constant 0 : i32
        %dma_wait3A_69 = arith.constant 0 : i32
        %dma_wait3A_70 = tpu.memref_slice %dma_wait3A_67[%arg1, %dma_wait3A_68, %dma_wait3A_69] : memref<16x80x128xi32, #tpu.memory_space<hbm>> -> memref<1x80x128xi32, #tpu.memory_space<hbm>>
        %dma_wait3A_71 = tpu.memref_squeeze %dma_wait3A_70 : memref<1x80x128xi32, #tpu.memory_space<hbm>> -> memref<80x128xi32, #tpu.memory_space<hbm>>
        %dma_wait3A_72 = arith.constant 0 : i32
        %dma_wait3A_73 = tpu.memref_slice %dma_wait3A_71[%mul3A_9, %dma_wait3A_72] : memref<80x128xi32, #tpu.memory_space<hbm>> -> memref<40x128xi32, #tpu.memory_space<hbm>>
        tpu.wait_dma2 semaphore(%run_scoped3A : memref<!tpu.dma_semaphore, #tpu.memory_space<semaphore_mem>>) src(%dma_wait3A_73 : memref<40x128xi32, #tpu.memory_space<hbm>>) dst(%arg7 : memref<40x128xi32, #tpu.memory_space<vmem>>)
        tpu.yield
      }) : () -> ()
      %mul3A_10 = arith.constant 40 : i32
      %mul3A_11 = arith.muli %scan3A_7, %mul3A_10 : i32
      "tpu.region"() ({
        %run_scoped3A = tpu.sem_alloc : memref<!tpu.dma_semaphore, #tpu.memory_space<semaphore_mem>>
        %dma_start3A_30 = arith.constant 0 : i32
        %dma_start3A_31 = arith.constant 0 : i32
        %dma_start3A_32 = arith.constant 0 : i32
        %dma_start3A_33 = tpu.memref_slice %arg4[%arg0, %dma_start3A_30, %dma_start3A_31, %dma_start3A_32] : memref<2x16x80x128xi32, #tpu.memory_space<hbm>> -> memref<1x16x80x128xi32, #tpu.memory_space<hbm>>
        %dma_start3A_34 = tpu.memref_squeeze %dma_start3A_33 : memref<1x16x80x128xi32, #tpu.memory_space<hbm>> -> memref<16x80x128xi32, #tpu.memory_space<hbm>>
        %dma_start3A_35 = arith.constant 0 : i32
        %dma_start3A_36 = arith.constant 0 : i32
        %dma_start3A_37 = tpu.memref_slice %dma_start3A_34[%arg1, %dma_start3A_35, %dma_start3A_36] : memref<16x80x128xi32, #tpu.memory_space<hbm>> -> memref<1x80x128xi32, #tpu.memory_space<hbm>>
        %dma_start3A_38 = tpu.memref_squeeze %dma_start3A_37 : memref<1x80x128xi32, #tpu.memory_space<hbm>> -> memref<80x128xi32, #tpu.memory_space<hbm>>
        %dma_start3A_39 = arith.constant 0 : i32
        %dma_start3A_40 = tpu.memref_slice %dma_start3A_38[%mul3A_11, %dma_start3A_39] : memref<80x128xi32, #tpu.memory_space<hbm>> -> memref<40x128xi32, #tpu.memory_space<hbm>>
        %dma_start3A_41 = arith.constant 0 : i32
        %dma_start3A_42 = arith.constant 0 : i32
        %dma_start3A_43 = arith.constant 0 : i32
        %dma_start3A_44 = tpu.memref_slice %arg4[%arg0, %dma_start3A_41, %dma_start3A_42, %dma_start3A_43] : memref<2x16x80x128xi32, #tpu.memory_space<hbm>> -> memref<1x16x80x128xi32, #tpu.memory_space<hbm>>
        %dma_start3A_45 = tpu.memref_squeeze %dma_start3A_44 : memref<1x16x80x128xi32, #tpu.memory_space<hbm>> -> memref<16x80x128xi32, #tpu.memory_space<hbm>>
        %dma_start3A_46 = arith.constant 0 : i32
        %dma_start3A_47 = arith.constant 0 : i32
        %dma_start3A_48 = tpu.memref_slice %dma_start3A_45[%arg1, %dma_start3A_46, %dma_start3A_47] : memref<16x80x128xi32, #tpu.memory_space<hbm>> -> memref<1x80x128xi32, #tpu.memory_space<hbm>>
        %dma_start3A_49 = tpu.memref_squeeze %dma_start3A_48 : memref<1x80x128xi32, #tpu.memory_space<hbm>> -> memref<80x128xi32, #tpu.memory_space<hbm>>
        %dma_start3A_50 = arith.constant 0 : i32
        %dma_start3A_51 = tpu.memref_slice %dma_start3A_49[%mul3A_11, %dma_start3A_50] : memref<80x128xi32, #tpu.memory_space<hbm>> -> memref<40x128xi32, #tpu.memory_space<hbm>>
        tpu.enqueue_dma source(%dma_start3A_51 : memref<40x128xi32, #tpu.memory_space<hbm>>) target(%arg8 : memref<40x128xi32, #tpu.memory_space<vmem>>) target_semaphore(%run_scoped3A : memref<!tpu.dma_semaphore, #tpu.memory_space<semaphore_mem>>)
        %dma_wait3A_52 = arith.constant 0 : i32
        %dma_wait3A_53 = arith.constant 0 : i32
        %dma_wait3A_54 = arith.constant 0 : i32
        %dma_wait3A_55 = tpu.memref_slice %arg4[%arg0, %dma_wait3A_52, %dma_wait3A_53, %dma_wait3A_54] : memref<2x16x80x128xi32, #tpu.memory_space<hbm>> -> memref<1x16x80x128xi32, #tpu.memory_space<hbm>>
        %dma_wait3A_56 = tpu.memref_squeeze %dma_wait3A_55 : memref<1x16x80x128xi32, #tpu.memory_space<hbm>> -> memref<16x80x128xi32, #tpu.memory_space<hbm>>
        %dma_wait3A_57 = arith.constant 0 : i32
        %dma_wait3A_58 = arith.constant 0 : i32
        %dma_wait3A_59 = tpu.memref_slice %dma_wait3A_56[%arg1, %dma_wait3A_57, %dma_wait3A_58] : memref<16x80x128xi32, #tpu.memory_space<hbm>> -> memref<1x80x128xi32, #tpu.memory_space<hbm>>
        %dma_wait3A_60 = tpu.memref_squeeze %dma_wait3A_59 : memref<1x80x128xi32, #tpu.memory_space<hbm>> -> memref<80x128xi32, #tpu.memory_space<hbm>>
        %dma_wait3A_61 = arith.constant 0 : i32
        %dma_wait3A_62 = tpu.memref_slice %dma_wait3A_60[%mul3A_11, %dma_wait3A_61] : memref<80x128xi32, #tpu.memory_space<hbm>> -> memref<40x128xi32, #tpu.memory_space<hbm>>
        %dma_wait3A_63 = arith.constant 0 : i32
        %dma_wait3A_64 = arith.constant 0 : i32
        %dma_wait3A_65 = arith.constant 0 : i32
        %dma_wait3A_66 = tpu.memref_slice %arg4[%arg0, %dma_wait3A_63, %dma_wait3A_64, %dma_wait3A_65] : memref<2x16x80x128xi32, #tpu.memory_space<hbm>> -> memref<1x16x80x128xi32, #tpu.memory_space<hbm>>
        %dma_wait3A_67 = tpu.memref_squeeze %dma_wait3A_66 : memref<1x16x80x128xi32, #tpu.memory_space<hbm>> -> memref<16x80x128xi32, #tpu.memory_space<hbm>>
        %dma_wait3A_68 = arith.constant 0 : i32
        %dma_wait3A_69 = arith.constant 0 : i32
        %dma_wait3A_70 = tpu.memref_slice %dma_wait3A_67[%arg1, %dma_wait3A_68, %dma_wait3A_69] : memref<16x80x128xi32, #tpu.memory_space<hbm>> -> memref<1x80x128xi32, #tpu.memory_space<hbm>>
        %dma_wait3A_71 = tpu.memref_squeeze %dma_wait3A_70 : memref<1x80x128xi32, #tpu.memory_space<hbm>> -> memref<80x128xi32, #tpu.memory_space<hbm>>
        %dma_wait3A_72 = arith.constant 0 : i32
        %dma_wait3A_73 = tpu.memref_slice %dma_wait3A_71[%mul3A_11, %dma_wait3A_72] : memref<80x128xi32, #tpu.memory_space<hbm>> -> memref<40x128xi32, #tpu.memory_space<hbm>>
        tpu.wait_dma2 semaphore(%run_scoped3A : memref<!tpu.dma_semaphore, #tpu.memory_space<semaphore_mem>>) src(%dma_wait3A_73 : memref<40x128xi32, #tpu.memory_space<hbm>>) dst(%arg8 : memref<40x128xi32, #tpu.memory_space<vmem>>)
        tpu.yield
      }) : () -> ()
      %dma_start3A = arith.constant 0 : i32
      %dma_start3A_12 = arith.constant 0 : i32
      %dma_start3A_13 = tpu.memref_slice %arg7[%dma_start3A, %dma_start3A_12] : memref<40x128xi32, #tpu.memory_space<vmem>> -> memref<1x128xi32, #tpu.memory_space<vmem>>
      %dma_start3A_14 = tpu.memref_squeeze %dma_start3A_13 : memref<1x128xi32, #tpu.memory_space<vmem>> -> memref<128xi32, #tpu.memory_space<vmem>>
      %dma_start3A_15 = arith.constant 0 : i32
      %dma_start3A_16 = arith.constant 0 : i32
      %dma_start3A_17 = tpu.memref_slice %arg2[%dma_start3A_15, %dma_start3A_16] : memref<10240x128xf32, #tpu.memory_space<hbm>> -> memref<10240x128xf32, #tpu.memory_space<hbm>>
      tpu.enqueue_indirect_dma source(%dma_start3A_17 : memref<10240x128xf32, #tpu.memory_space<hbm>>) target(%arg9 : memref<128x128xf32, #tpu.memory_space<vmem>>) offsets(%dma_start3A_14 : memref<128xi32, #tpu.memory_space<vmem>>) semaphore(%arg11 : memref<!tpu.dma_semaphore, #tpu.memory_space<semaphore_mem>>)
      %scan3A_18 = arith.constant 0 : i32
      %scan3A_19 = arith.constant 0 : i32
      %scan3A_20 = arith.constant 20 : i32
      %scan3A_21 = arith.addi %scan3A_19, %scan3A_20 : i32
      %scan3A_22 = arith.constant 1 : i32
      scf.for %scan3A_30 = %scan3A_19 to %scan3A_21 step %scan3A_22  : i32 {
        %mul3A_31 = arith.constant 2 : i32
        %mul3A_32 = arith.muli %mul3A_31, %scan3A_30 : i32
        %add3A = arith.constant 1 : i32
        %add3A_33 = arith.addi %mul3A_32, %add3A : i32
        %dma_wait3A_34 = arith.constant 0 : i32
        %dma_wait3A_35 = tpu.memref_slice %arg7[%mul3A_32, %dma_wait3A_34] : memref<40x128xi32, #tpu.memory_space<vmem>> -> memref<1x128xi32, #tpu.memory_space<vmem>>
        %dma_wait3A_36 = tpu.memref_squeeze %dma_wait3A_35 : memref<1x128xi32, #tpu.memory_space<vmem>> -> memref<128xi32, #tpu.memory_space<vmem>>
        %dma_wait3A_37 = arith.constant 0 : i32
        %dma_wait3A_38 = arith.constant 0 : i32
        %dma_wait3A_39 = tpu.memref_slice %arg2[%dma_wait3A_37, %dma_wait3A_38] : memref<10240x128xf32, #tpu.memory_space<hbm>> -> memref<10240x128xf32, #tpu.memory_space<hbm>>
        tpu.wait_indirect_dma semaphore(%arg11 : memref<!tpu.dma_semaphore, #tpu.memory_space<semaphore_mem>>) src(%dma_wait3A_39 : memref<10240x128xf32, #tpu.memory_space<hbm>>) dst(%arg9 : memref<128x128xf32, #tpu.memory_space<vmem>>)
        %dma_start3A_40 = arith.constant 0 : i32
        %dma_start3A_41 = tpu.memref_slice %arg8[%mul3A_32, %dma_start3A_40] : memref<40x128xi32, #tpu.memory_space<vmem>> -> memref<1x128xi32, #tpu.memory_space<vmem>>
        %dma_start3A_42 = tpu.memref_squeeze %dma_start3A_41 : memref<1x128xi32, #tpu.memory_space<vmem>> -> memref<128xi32, #tpu.memory_space<vmem>>
        %dma_start3A_43 = arith.constant 0 : i32
        %dma_start3A_44 = arith.constant 0 : i32
        %dma_start3A_45 = tpu.memref_slice %arg6[%dma_start3A_43, %dma_start3A_44] : memref<10240x128xf32, #tpu.memory_space<vmem_shared>> -> memref<10240x128xf32, #tpu.memory_space<vmem_shared>>
        tpu.enqueue_indirect_dma source(%arg9 : memref<128x128xf32, #tpu.memory_space<vmem>>) target(%dma_start3A_45 : memref<10240x128xf32, #tpu.memory_space<vmem_shared>>) offsets(%dma_start3A_42 : memref<128xi32, #tpu.memory_space<vmem>>) semaphore(%arg13 : memref<!tpu.dma_semaphore, #tpu.memory_space<semaphore_mem>>) {add = true}
        %gt3A = arith.constant 0 : i32
        %gt3A_46 = arith.cmpi sgt, %scan3A_30, %gt3A : i32
        %convert_element_type3A = arith.extui %gt3A_46 : i1 to i32
        %cond3A = arith.constant 0 : i32
        %cond3A_47 = arith.cmpi ne, %convert_element_type3A, %cond3A : i32
        scf.if %cond3A_47 {
          %sub3A = arith.constant 1 : i32
          %sub3A_76 = arith.subi %mul3A_32, %sub3A : i32
          %dma_wait3A_77 = arith.constant 0 : i32
          %dma_wait3A_78 = tpu.memref_slice %arg8[%sub3A_76, %dma_wait3A_77] : memref<40x128xi32, #tpu.memory_space<vmem>> -> memref<1x128xi32, #tpu.memory_space<vmem>>
          %dma_wait3A_79 = tpu.memref_squeeze %dma_wait3A_78 : memref<1x128xi32, #tpu.memory_space<vmem>> -> memref<128xi32, #tpu.memory_space<vmem>>
          %dma_wait3A_80 = arith.constant 0 : i32
          %dma_wait3A_81 = arith.constant 0 : i32
          %dma_wait3A_82 = tpu.memref_slice %arg6[%dma_wait3A_80, %dma_wait3A_81] : memref<10240x128xf32, #tpu.memory_space<vmem_shared>> -> memref<10240x128xf32, #tpu.memory_space<vmem_shared>>
          tpu.wait_indirect_dma semaphore(%arg13 : memref<!tpu.dma_semaphore, #tpu.memory_space<semaphore_mem>>) src(%arg10 : memref<128x128xf32, #tpu.memory_space<vmem>>) dst(%dma_wait3A_82 : memref<10240x128xf32, #tpu.memory_space<vmem_shared>>)
        } else {
        }
        %dma_start3A_48 = arith.constant 0 : i32
        %dma_start3A_49 = tpu.memref_slice %arg7[%add3A_33, %dma_start3A_48] : memref<40x128xi32, #tpu.memory_space<vmem>> -> memref<1x128xi32, #tpu.memory_space<vmem>>
        %dma_start3A_50 = tpu.memref_squeeze %dma_start3A_49 : memref<1x128xi32, #tpu.memory_space<vmem>> -> memref<128xi32, #tpu.memory_space<vmem>>
        %dma_start3A_51 = arith.constant 0 : i32
        %dma_start3A_52 = arith.constant 0 : i32
        %dma_start3A_53 = tpu.memref_slice %arg2[%dma_start3A_51, %dma_start3A_52] : memref<10240x128xf32, #tpu.memory_space<hbm>> -> memref<10240x128xf32, #tpu.memory_space<hbm>>
        tpu.enqueue_indirect_dma source(%dma_start3A_53 : memref<10240x128xf32, #tpu.memory_space<hbm>>) target(%arg10 : memref<128x128xf32, #tpu.memory_space<vmem>>) offsets(%dma_start3A_50 : memref<128xi32, #tpu.memory_space<vmem>>) semaphore(%arg12 : memref<!tpu.dma_semaphore, #tpu.memory_space<semaphore_mem>>)
        %dma_wait3A_54 = arith.constant 0 : i32
        %dma_wait3A_55 = tpu.memref_slice %arg7[%add3A_33, %dma_wait3A_54] : memref<40x128xi32, #tpu.memory_space<vmem>> -> memref<1x128xi32, #tpu.memory_space<vmem>>
        %dma_wait3A_56 = tpu.memref_squeeze %dma_wait3A_55 : memref<1x128xi32, #tpu.memory_space<vmem>> -> memref<128xi32, #tpu.memory_space<vmem>>
        %dma_wait3A_57 = arith.constant 0 : i32
        %dma_wait3A_58 = arith.constant 0 : i32
        %dma_wait3A_59 = tpu.memref_slice %arg2[%dma_wait3A_57, %dma_wait3A_58] : memref<10240x128xf32, #tpu.memory_space<hbm>> -> memref<10240x128xf32, #tpu.memory_space<hbm>>
        tpu.wait_indirect_dma semaphore(%arg12 : memref<!tpu.dma_semaphore, #tpu.memory_space<semaphore_mem>>) src(%dma_wait3A_59 : memref<10240x128xf32, #tpu.memory_space<hbm>>) dst(%arg10 : memref<128x128xf32, #tpu.memory_space<vmem>>)
        %dma_start3A_60 = arith.constant 0 : i32
        %dma_start3A_61 = tpu.memref_slice %arg8[%add3A_33, %dma_start3A_60] : memref<40x128xi32, #tpu.memory_space<vmem>> -> memref<1x128xi32, #tpu.memory_space<vmem>>
        %dma_start3A_62 = tpu.memref_squeeze %dma_start3A_61 : memref<1x128xi32, #tpu.memory_space<vmem>> -> memref<128xi32, #tpu.memory_space<vmem>>
        %dma_start3A_63 = arith.constant 0 : i32
        %dma_start3A_64 = arith.constant 0 : i32
        %dma_start3A_65 = tpu.memref_slice %arg6[%dma_start3A_63, %dma_start3A_64] : memref<10240x128xf32, #tpu.memory_space<vmem_shared>> -> memref<10240x128xf32, #tpu.memory_space<vmem_shared>>
        tpu.enqueue_indirect_dma source(%arg10 : memref<128x128xf32, #tpu.memory_space<vmem>>) target(%dma_start3A_65 : memref<10240x128xf32, #tpu.memory_space<vmem_shared>>) offsets(%dma_start3A_62 : memref<128xi32, #tpu.memory_space<vmem>>) semaphore(%arg13 : memref<!tpu.dma_semaphore, #tpu.memory_space<semaphore_mem>>) {add = true}
        %dma_wait3A_66 = arith.constant 0 : i32
        %dma_wait3A_67 = tpu.memref_slice %arg8[%mul3A_32, %dma_wait3A_66] : memref<40x128xi32, #tpu.memory_space<vmem>> -> memref<1x128xi32, #tpu.memory_space<vmem>>
        %dma_wait3A_68 = tpu.memref_squeeze %dma_wait3A_67 : memref<1x128xi32, #tpu.memory_space<vmem>> -> memref<128xi32, #tpu.memory_space<vmem>>
        %dma_wait3A_69 = arith.constant 0 : i32
        %dma_wait3A_70 = arith.constant 0 : i32
        %dma_wait3A_71 = tpu.memref_slice %arg6[%dma_wait3A_69, %dma_wait3A_70] : memref<10240x128xf32, #tpu.memory_space<vmem_shared>> -> memref<10240x128xf32, #tpu.memory_space<vmem_shared>>
        tpu.wait_indirect_dma semaphore(%arg13 : memref<!tpu.dma_semaphore, #tpu.memory_space<semaphore_mem>>) src(%arg9 : memref<128x128xf32, #tpu.memory_space<vmem>>) dst(%dma_wait3A_71 : memref<10240x128xf32, #tpu.memory_space<vmem_shared>>)
        %lt3A = arith.constant 19 : i32
        %lt3A_72 = arith.cmpi slt, %scan3A_30, %lt3A : i32
        %convert_element_type3A_73 = arith.extui %lt3A_72 : i1 to i32
        %cond3A_74 = arith.constant 0 : i32
        %cond3A_75 = arith.cmpi ne, %convert_element_type3A_73, %cond3A_74 : i32
        scf.if %cond3A_75 {
          %add3A_76 = arith.constant 2 : i32
          %add3A_77 = arith.addi %mul3A_32, %add3A_76 : i32
          %dma_start3A_78 = arith.constant 0 : i32
          %dma_start3A_79 = tpu.memref_slice %arg7[%add3A_77, %dma_start3A_78] : memref<40x128xi32, #tpu.memory_space<vmem>> -> memref<1x128xi32, #tpu.memory_space<vmem>>
          %dma_start3A_80 = tpu.memref_squeeze %dma_start3A_79 : memref<1x128xi32, #tpu.memory_space<vmem>> -> memref<128xi32, #tpu.memory_space<vmem>>
          %dma_start3A_81 = arith.constant 0 : i32
          %dma_start3A_82 = arith.constant 0 : i32
          %dma_start3A_83 = tpu.memref_slice %arg2[%dma_start3A_81, %dma_start3A_82] : memref<10240x128xf32, #tpu.memory_space<hbm>> -> memref<10240x128xf32, #tpu.memory_space<hbm>>
          tpu.enqueue_indirect_dma source(%dma_start3A_83 : memref<10240x128xf32, #tpu.memory_space<hbm>>) target(%arg9 : memref<128x128xf32, #tpu.memory_space<vmem>>) offsets(%dma_start3A_80 : memref<128xi32, #tpu.memory_space<vmem>>) semaphore(%arg11 : memref<!tpu.dma_semaphore, #tpu.memory_space<semaphore_mem>>)
        } else {
        }
      }
      %scan3A_23 = arith.constant 20 : i32
      %dma_wait3A = arith.constant 39 : i32
      %dma_wait3A_24 = arith.constant 0 : i32
      %dma_wait3A_25 = tpu.memref_slice %arg8[%dma_wait3A, %dma_wait3A_24] : memref<40x128xi32, #tpu.memory_space<vmem>> -> memref<1x128xi32, #tpu.memory_space<vmem>>
      %dma_wait3A_26 = tpu.memref_squeeze %dma_wait3A_25 : memref<1x128xi32, #tpu.memory_space<vmem>> -> memref<128xi32, #tpu.memory_space<vmem>>
      %dma_wait3A_27 = arith.constant 0 : i32
      %dma_wait3A_28 = arith.constant 0 : i32
      %dma_wait3A_29 = tpu.memref_slice %arg6[%dma_wait3A_27, %dma_wait3A_28] : memref<10240x128xf32, #tpu.memory_space<vmem_shared>> -> memref<10240x128xf32, #tpu.memory_space<vmem_shared>>
      tpu.wait_indirect_dma semaphore(%arg13 : memref<!tpu.dma_semaphore, #tpu.memory_space<semaphore_mem>>) src(%arg10 : memref<128x128xf32, #tpu.memory_space<vmem>>) dst(%dma_wait3A_29 : memref<10240x128xf32, #tpu.memory_space<vmem_shared>>)
    }
    %scan3A_5 = arith.constant 2 : i32
    %barrier3A_6 = arith.constant 0 : index
    tpu.barrier barrier_id(%barrier3A_6)
    "tpu.region"() ({
      %run_scoped3A = tpu.sem_alloc : memref<!tpu.dma_semaphore, #tpu.memory_space<semaphore_mem>>
      %dma_start3A = arith.constant 0 : i32
      %dma_start3A_7 = arith.constant 0 : i32
      %dma_start3A_8 = tpu.memref_slice %arg5[%arg0, %dma_start3A, %dma_start3A_7] : memref<2x10240x128xf32, #tpu.memory_space<hbm>> -> memref<1x10240x128xf32, #tpu.memory_space<hbm>>
      %dma_start3A_9 = tpu.memref_squeeze %dma_start3A_8 : memref<1x10240x128xf32, #tpu.memory_space<hbm>> -> memref<10240x128xf32, #tpu.memory_space<hbm>>
      %dma_start3A_10 = arith.constant 0 : i32
      %dma_start3A_11 = tpu.memref_slice %dma_start3A_9[%mul3A_0, %dma_start3A_10] : memref<10240x128xf32, #tpu.memory_space<hbm>> -> memref<640x128xf32, #tpu.memory_space<hbm>>
      %dma_start3A_12 = arith.constant 0 : i32
      %dma_start3A_13 = tpu.memref_slice %arg6[%mul3A_0, %dma_start3A_12] : memref<10240x128xf32, #tpu.memory_space<vmem_shared>> -> memref<640x128xf32, #tpu.memory_space<vmem_shared>>
      tpu.enqueue_dma source(%dma_start3A_13 : memref<640x128xf32, #tpu.memory_space<vmem_shared>>) target(%dma_start3A_11 : memref<640x128xf32, #tpu.memory_space<hbm>>) target_semaphore(%run_scoped3A : memref<!tpu.dma_semaphore, #tpu.memory_space<semaphore_mem>>)
      %dma_wait3A = arith.constant 0 : i32
      %dma_wait3A_14 = arith.constant 0 : i32
      %dma_wait3A_15 = tpu.memref_slice %arg5[%arg0, %dma_wait3A, %dma_wait3A_14] : memref<2x10240x128xf32, #tpu.memory_space<hbm>> -> memref<1x10240x128xf32, #tpu.memory_space<hbm>>
      %dma_wait3A_16 = tpu.memref_squeeze %dma_wait3A_15 : memref<1x10240x128xf32, #tpu.memory_space<hbm>> -> memref<10240x128xf32, #tpu.memory_space<hbm>>
      %dma_wait3A_17 = arith.constant 0 : i32
      %dma_wait3A_18 = tpu.memref_slice %dma_wait3A_16[%mul3A_0, %dma_wait3A_17] : memref<10240x128xf32, #tpu.memory_space<hbm>> -> memref<640x128xf32, #tpu.memory_space<hbm>>
      %dma_wait3A_19 = arith.constant 0 : i32
      %dma_wait3A_20 = tpu.memref_slice %arg6[%mul3A_0, %dma_wait3A_19] : memref<10240x128xf32, #tpu.memory_space<vmem_shared>> -> memref<640x128xf32, #tpu.memory_space<vmem_shared>>
      tpu.wait_dma2 semaphore(%run_scoped3A : memref<!tpu.dma_semaphore, #tpu.memory_space<semaphore_mem>>) src(%dma_wait3A_20 : memref<640x128xf32, #tpu.memory_space<vmem_shared>>) dst(%dma_wait3A_18 : memref<640x128xf32, #tpu.memory_space<hbm>>)
      tpu.yield
    }) : () -> ()
    return
  }
}

module attributes {stable_mosaic.version = 14 : i64} {
  func.func @_tc_scale_in_body(%arg0: i32, %arg1: memref<10240x128xf32, #tpu.memory_space<vmem>>, %arg2: memref<128x128xf32, #tpu.memory_space<vmem>>, %arg3: memref<2x10240x128xf32, #tpu.memory_space<vmem>>, %arg4: memref<10240x128xf32, #tpu.memory_space<vmem>>, %arg5: memref<10240x1xf32, #tpu.memory_space<vmem>>) attributes {dimension_semantics = [#tpu.dimension_semantics<arbitrary>], iteration_bounds = array<i64: 1>, scalar_prefetch = 0 : i64, scratch_operands = 0 : i64, tpu.core_type = #tpu.core_type<tc>, window_params = [{transform_indices = @transform_0, window_bounds = array<i64: 10240, 128>}, {pipeline_mode = #tpu.pipeline_mode<synchronous>, transform_indices = @transform_1, window_bounds = array<i64: 128, 128>}, {transform_indices = @transform_2, window_bounds = array<i64: 2, 10240, 128>}, {transform_indices = @transform_3, window_bounds = array<i64: 10240, 128>}, {transform_indices = @transform_4, window_bounds = array<i64: 10240, 1>}]} {
    %get3A = arith.constant 0 : index
    %get3A_0 = arith.constant 0 : index
    %get3A_1 = arith.constant 0 : index
    %get3A_2 = vector.load %arg3[%get3A, %get3A_0, %get3A_1] : memref<2x10240x128xf32, #tpu.memory_space<vmem>>, vector<2x10240x128xf32>
    %slice3A = vector.extract_strided_slice %get3A_2 {offsets = [0, 0, 0], sizes = [1, 10240, 1], strides = [1, 1, 1]} : vector<2x10240x128xf32> to vector<1x10240x1xf32>
    %squeeze3A = vector.shape_cast %slice3A : vector<1x10240x1xf32> to vector<10240x1xf32>
    %slice3A_3 = vector.extract_strided_slice %get3A_2 {offsets = [1, 0, 0], sizes = [1, 10240, 1], strides = [1, 1, 1]} : vector<2x10240x128xf32> to vector<1x10240x1xf32>
    %squeeze3A_4 = vector.shape_cast %slice3A_3 : vector<1x10240x1xf32> to vector<10240x1xf32>
    %add3A = arith.addf %squeeze3A, %squeeze3A_4 : vector<10240x1xf32>
    %add3A_5 = arith.constant 1.000000e+00 : f32
    %add3A_6 = vector.broadcast %add3A_5 : f32 to vector<10240x1xf32>
    %add3A_7 = arith.addf %add3A, %add3A_6 : vector<10240x1xf32>
    %rsqrt3A = math.rsqrt %add3A_7 : vector<10240x1xf32>
    %get3A_8 = arith.constant 0 : index
    %get3A_9 = arith.constant 0 : index
    %get3A_10 = vector.load %arg1[%get3A_8, %get3A_9] : memref<10240x128xf32, #tpu.memory_space<vmem>>, vector<10240x128xf32>
    %get3A_11 = arith.constant 0 : index
    %get3A_12 = arith.constant 0 : index
    %get3A_13 = vector.load %arg2[%get3A_11, %get3A_12] : memref<128x128xf32, #tpu.memory_space<vmem>>, vector<128x128xf32>
    %dot_general3A = arith.constant dense<0.000000e+00> : vector<10240x128xf32>
    %dot_general3A_14 = tpu.matmul %get3A_10, %get3A_13, %dot_general3A {dimension_numbers = #tpu.dot_dimension_numbers<[1], [0], [0], [1], [0, 0, 1, 1], [], []>, transpose_lhs_hint = false} : vector<10240x128xf32>, vector<128x128xf32>, vector<10240x128xf32> -> vector<10240x128xf32>
    %mul3A = vector.broadcast %rsqrt3A : vector<10240x1xf32> to vector<10240x128xf32>
    %mul3A_15 = arith.mulf %dot_general3A_14, %mul3A : vector<10240x128xf32>
    %swap3A = arith.constant 0 : index
    %swap3A_16 = arith.constant 0 : index
    %swap3A_17 = vector.load %arg4[%swap3A, %swap3A_16] : memref<10240x128xf32, #tpu.memory_space<vmem>>, vector<10240x128xf32>
    tpu.vector_store %arg4[%swap3A, %swap3A_16], %mul3A_15 {strides = array<i32>} : memref<10240x128xf32, #tpu.memory_space<vmem>>, vector<10240x128xf32>,
    %swap3A_18 = arith.constant 0 : index
    %swap3A_19 = arith.constant 0 : index
    %swap3A_20 = vector.load %arg5[%swap3A_18, %swap3A_19] : memref<10240x1xf32, #tpu.memory_space<vmem>>, vector<10240x1xf32>
    tpu.vector_store %arg5[%swap3A_18, %swap3A_19], %rsqrt3A {strides = array<i32>} : memref<10240x1xf32, #tpu.memory_space<vmem>>, vector<10240x1xf32>,
    return
  }
  func.func @transform_0(%arg0: i32) -> (i32, i32) {
    %c0_i32 = arith.constant 0 : i32
    %c0_i32_0 = arith.constant 0 : i32
    return %arg0, %c0_i32 : i32, i32
  }
  func.func @transform_1(%arg0: i32) -> (i32, i32) {
    %c0_i32 = arith.constant 0 : i32
    %c0_i32_0 = arith.constant 0 : i32
    %c0_i32_1 = arith.constant 0 : i32
    return %c0_i32, %c0_i32_0 : i32, i32
  }
  func.func @transform_2(%arg0: i32) -> (i32, i32, i32) {
    %c0_i32 = arith.constant 0 : i32
    %c0_i32_0 = arith.constant 0 : i32
    %c0_i32_1 = arith.constant 0 : i32
    return %c0_i32, %arg0, %c0_i32_0 : i32, i32, i32
  }
  func.func @transform_3(%arg0: i32) -> (i32, i32) {
    %c0_i32 = arith.constant 0 : i32
    %c0_i32_0 = arith.constant 0 : i32
    return %arg0, %c0_i32 : i32, i32
  }
  func.func @transform_4(%arg0: i32) -> (i32, i32) {
    %c0_i32 = arith.constant 0 : i32
    %c0_i32_0 = arith.constant 0 : i32
    return %arg0, %c0_i32 : i32, i32
  }
}

module attributes {stable_mosaic.version = 14 : i64} {
  func.func @_tc_hidden_body(%arg0: i32, %arg1: memref<2x10240x128xf32, #tpu.memory_space<vmem>>, %arg2: memref<10240x128xf32, #tpu.memory_space<vmem>>, %arg3: memref<10240x1xf32, #tpu.memory_space<vmem>>, %arg4: memref<1x128xf32, #tpu.memory_space<vmem>>, %arg5: memref<10240x128xf32, #tpu.memory_space<vmem>>) attributes {dimension_semantics = [#tpu.dimension_semantics<arbitrary>], iteration_bounds = array<i64: 1>, scalar_prefetch = 0 : i64, scratch_operands = 0 : i64, tpu.core_type = #tpu.core_type<tc>, window_params = [{transform_indices = @transform_0, window_bounds = array<i64: 2, 10240, 128>}, {transform_indices = @transform_1, window_bounds = array<i64: 10240, 128>}, {transform_indices = @transform_2, window_bounds = array<i64: 10240, 1>}, {pipeline_mode = #tpu.pipeline_mode<synchronous>, transform_indices = @transform_3, window_bounds = array<i64: 1, 128>}, {transform_indices = @transform_4, window_bounds = array<i64: 10240, 128>}]} {
    %get3A = arith.constant 0 : index
    %get3A_0 = arith.constant 0 : index
    %get3A_1 = arith.constant 0 : index
    %get3A_2 = vector.load %arg1[%get3A, %get3A_0, %get3A_1] : memref<2x10240x128xf32, #tpu.memory_space<vmem>>, vector<1x10240x128xf32>
    %get3A_3 = vector.shape_cast %get3A_2 : vector<1x10240x128xf32> to vector<10240x128xf32>
    %get3A_4 = arith.constant 1 : index
    %get3A_5 = arith.constant 0 : index
    %get3A_6 = arith.constant 0 : index
    %get3A_7 = vector.load %arg1[%get3A_4, %get3A_5, %get3A_6] : memref<2x10240x128xf32, #tpu.memory_space<vmem>>, vector<1x10240x128xf32>
    %get3A_8 = vector.shape_cast %get3A_7 : vector<1x10240x128xf32> to vector<10240x128xf32>
    %add3A = arith.addf %get3A_3, %get3A_8 : vector<10240x128xf32>
    %get3A_9 = arith.constant 0 : index
    %get3A_10 = arith.constant 0 : index
    %get3A_11 = vector.load %arg2[%get3A_9, %get3A_10] : memref<10240x128xf32, #tpu.memory_space<vmem>>, vector<10240x128xf32>
    %sub3A = arith.subf %add3A, %get3A_11 : vector<10240x128xf32>
    %get3A_12 = arith.constant 0 : index
    %get3A_13 = arith.constant 0 : index
    %get3A_14 = vector.load %arg3[%get3A_12, %get3A_13] : memref<10240x1xf32, #tpu.memory_space<vmem>>, vector<10240x1xf32>
    %mul3A = vector.broadcast %get3A_14 : vector<10240x1xf32> to vector<10240x128xf32>
    %mul3A_15 = arith.mulf %sub3A, %mul3A : vector<10240x128xf32>
    %get3A_16 = arith.constant 0 : index
    %get3A_17 = arith.constant 0 : index
    %get3A_18 = vector.load %arg4[%get3A_16, %get3A_17] : memref<1x128xf32, #tpu.memory_space<vmem>>, vector<1x128xf32>
    %add3A_19 = vector.broadcast %get3A_18 : vector<1x128xf32> to vector<10240x128xf32>
    %add3A_20 = arith.addf %mul3A_15, %add3A_19 : vector<10240x128xf32>
    %tanh3A = math.tanh %add3A_20 : vector<10240x128xf32>
    %mul3A_21 = vector.broadcast %get3A_14 : vector<10240x1xf32> to vector<10240x128xf32>
    %mul3A_22 = arith.mulf %tanh3A, %mul3A_21 : vector<10240x128xf32>
    %swap3A = arith.constant 0 : index
    %swap3A_23 = arith.constant 0 : index
    %swap3A_24 = vector.load %arg5[%swap3A, %swap3A_23] : memref<10240x128xf32, #tpu.memory_space<vmem>>, vector<10240x128xf32>
    tpu.vector_store %arg5[%swap3A, %swap3A_23], %mul3A_22 {strides = array<i32>} : memref<10240x128xf32, #tpu.memory_space<vmem>>, vector<10240x128xf32>,
    return
  }
  func.func @transform_0(%arg0: i32) -> (i32, i32, i32) {
    %c0_i32 = arith.constant 0 : i32
    %c0_i32_0 = arith.constant 0 : i32
    %c0_i32_1 = arith.constant 0 : i32
    return %c0_i32, %arg0, %c0_i32_0 : i32, i32, i32
  }
  func.func @transform_1(%arg0: i32) -> (i32, i32) {
    %c0_i32 = arith.constant 0 : i32
    %c0_i32_0 = arith.constant 0 : i32
    return %arg0, %c0_i32 : i32, i32
  }
  func.func @transform_2(%arg0: i32) -> (i32, i32) {
    %c0_i32 = arith.constant 0 : i32
    %c0_i32_0 = arith.constant 0 : i32
    return %arg0, %c0_i32 : i32, i32
  }
  func.func @transform_3(%arg0: i32) -> (i32, i32) {
    %c0_i32 = arith.constant 0 : i32
    %c0_i32_0 = arith.constant 0 : i32
    %c0_i32_1 = arith.constant 0 : i32
    return %c0_i32, %c0_i32_0 : i32, i32
  }
  func.func @transform_4(%arg0: i32) -> (i32, i32) {
    %c0_i32 = arith.constant 0 : i32
    %c0_i32_0 = arith.constant 0 : i32
    return %arg0, %c0_i32 : i32, i32
  }
}

module attributes {stable_mosaic.version = 14 : i64} {
  func.func @_tc_out_body(%arg0: i32, %arg1: memref<2x10240x128xf32, #tpu.memory_space<vmem>>, %arg2: memref<10240x128xf32, #tpu.memory_space<vmem>>, %arg3: memref<10240x1xf32, #tpu.memory_space<vmem>>, %arg4: memref<128x128xf32, #tpu.memory_space<vmem>>, %arg5: memref<1x128xf32, #tpu.memory_space<vmem>>, %arg6: memref<10240x64xf32, #tpu.memory_space<vmem>>, %arg7: memref<10240x64xf32, #tpu.memory_space<vmem>>, %arg8: memref<10240x64xf32, #tpu.memory_space<vmem>>, %arg9: memref<10240x64xf32, #tpu.memory_space<vmem>>) attributes {dimension_semantics = [#tpu.dimension_semantics<arbitrary>], iteration_bounds = array<i64: 1>, scalar_prefetch = 0 : i64, scratch_operands = 0 : i64, tpu.core_type = #tpu.core_type<tc>, window_params = [{transform_indices = @transform_0, window_bounds = array<i64: 2, 10240, 128>}, {transform_indices = @transform_1, window_bounds = array<i64: 10240, 128>}, {transform_indices = @transform_2, window_bounds = array<i64: 10240, 1>}, {pipeline_mode = #tpu.pipeline_mode<synchronous>, transform_indices = @transform_3, window_bounds = array<i64: 128, 128>}, {pipeline_mode = #tpu.pipeline_mode<synchronous>, transform_indices = @transform_4, window_bounds = array<i64: 1, 128>}, {transform_indices = @transform_5, window_bounds = array<i64: 10240, 64>}, {transform_indices = @transform_6, window_bounds = array<i64: 10240, 64>}, {transform_indices = @transform_7, window_bounds = array<i64: 10240, 64>}, {transform_indices = @transform_8, window_bounds = array<i64: 10240, 64>}]} {
    %get3A = arith.constant 0 : index
    %get3A_0 = arith.constant 0 : index
    %get3A_1 = arith.constant 0 : index
    %get3A_2 = vector.load %arg1[%get3A, %get3A_0, %get3A_1] : memref<2x10240x128xf32, #tpu.memory_space<vmem>>, vector<1x10240x128xf32>
    %get3A_3 = vector.shape_cast %get3A_2 : vector<1x10240x128xf32> to vector<10240x128xf32>
    %get3A_4 = arith.constant 1 : index
    %get3A_5 = arith.constant 0 : index
    %get3A_6 = arith.constant 0 : index
    %get3A_7 = vector.load %arg1[%get3A_4, %get3A_5, %get3A_6] : memref<2x10240x128xf32, #tpu.memory_space<vmem>>, vector<1x10240x128xf32>
    %get3A_8 = vector.shape_cast %get3A_7 : vector<1x10240x128xf32> to vector<10240x128xf32>
    %add3A = arith.addf %get3A_3, %get3A_8 : vector<10240x128xf32>
    %get3A_9 = arith.constant 0 : index
    %get3A_10 = arith.constant 0 : index
    %get3A_11 = vector.load %arg2[%get3A_9, %get3A_10] : memref<10240x128xf32, #tpu.memory_space<vmem>>, vector<10240x128xf32>
    %sub3A = arith.subf %add3A, %get3A_11 : vector<10240x128xf32>
    %get3A_12 = arith.constant 0 : index
    %get3A_13 = arith.constant 0 : index
    %get3A_14 = vector.load %arg3[%get3A_12, %get3A_13] : memref<10240x1xf32, #tpu.memory_space<vmem>>, vector<10240x1xf32>
    %mul3A = vector.broadcast %get3A_14 : vector<10240x1xf32> to vector<10240x128xf32>
    %mul3A_15 = arith.mulf %sub3A, %mul3A : vector<10240x128xf32>
    %get3A_16 = arith.constant 0 : index
    %get3A_17 = arith.constant 0 : index
    %get3A_18 = vector.load %arg4[%get3A_16, %get3A_17] : memref<128x128xf32, #tpu.memory_space<vmem>>, vector<128x128xf32>
    %dot_general3A = arith.constant dense<0.000000e+00> : vector<10240x128xf32>
    %dot_general3A_19 = tpu.matmul %mul3A_15, %get3A_18, %dot_general3A {dimension_numbers = #tpu.dot_dimension_numbers<[1], [0], [0], [1], [0, 0, 1, 1], [], []>, transpose_lhs_hint = false} : vector<10240x128xf32>, vector<128x128xf32>, vector<10240x128xf32> -> vector<10240x128xf32>
    %get3A_20 = arith.constant 0 : index
    %get3A_21 = arith.constant 0 : index
    %get3A_22 = vector.load %arg5[%get3A_20, %get3A_21] : memref<1x128xf32, #tpu.memory_space<vmem>>, vector<1x128xf32>
    %add3A_23 = vector.broadcast %get3A_22 : vector<1x128xf32> to vector<10240x128xf32>
    %add3A_24 = arith.addf %dot_general3A_19, %add3A_23 : vector<10240x128xf32>
    %slice3A = vector.extract_strided_slice %add3A_24 {offsets = [0, 0], sizes = [10240, 64], strides = [1, 1]} : vector<10240x128xf32> to vector<10240x64xf32>
    %slice3A_25 = vector.extract_strided_slice %add3A_24 {offsets = [0, 64], sizes = [10240, 64], strides = [1, 1]} : vector<10240x128xf32> to vector<10240x64xf32>
    %get3A_26 = arith.constant 0 : index
    %get3A_27 = arith.constant 0 : index
    %get3A_28 = vector.load %arg6[%get3A_26, %get3A_27] : memref<10240x64xf32, #tpu.memory_space<vmem>>, vector<10240x64xf32>
    %mul3A_29 = arith.constant 5.000000e-01 : f32
    %mul3A_30 = vector.broadcast %mul3A_29 : f32 to vector<10240x64xf32>
    %mul3A_31 = arith.mulf %mul3A_30, %slice3A_25 : vector<10240x64xf32>
    %exp3A = math.exp %mul3A_31 : vector<10240x64xf32>
    %mul3A_32 = arith.mulf %get3A_28, %exp3A : vector<10240x64xf32>
    %add3A_33 = arith.addf %mul3A_32, %slice3A : vector<10240x64xf32>
    %swap3A = arith.constant 0 : index
    %swap3A_34 = arith.constant 0 : index
    %swap3A_35 = vector.load %arg7[%swap3A, %swap3A_34] : memref<10240x64xf32, #tpu.memory_space<vmem>>, vector<10240x64xf32>
    tpu.vector_store %arg7[%swap3A, %swap3A_34], %add3A_33 {strides = array<i32>} : memref<10240x64xf32, #tpu.memory_space<vmem>>, vector<10240x64xf32>,
    %swap3A_36 = arith.constant 0 : index
    %swap3A_37 = arith.constant 0 : index
    %swap3A_38 = vector.load %arg8[%swap3A_36, %swap3A_37] : memref<10240x64xf32, #tpu.memory_space<vmem>>, vector<10240x64xf32>
    tpu.vector_store %arg8[%swap3A_36, %swap3A_37], %slice3A {strides = array<i32>} : memref<10240x64xf32, #tpu.memory_space<vmem>>, vector<10240x64xf32>,
    %swap3A_39 = arith.constant 0 : index
    %swap3A_40 = arith.constant 0 : index
    %swap3A_41 = vector.load %arg9[%swap3A_39, %swap3A_40] : memref<10240x64xf32, #tpu.memory_space<vmem>>, vector<10240x64xf32>
    tpu.vector_store %arg9[%swap3A_39, %swap3A_40], %slice3A_25 {strides = array<i32>} : memref<10240x64xf32, #tpu.memory_space<vmem>>, vector<10240x64xf32>,
    return
  }
  func.func @transform_0(%arg0: i32) -> (i32, i32, i32) {
    %c0_i32 = arith.constant 0 : i32
    %c0_i32_0 = arith.constant 0 : i32
    %c0_i32_1 = arith.constant 0 : i32
    return %c0_i32, %arg0, %c0_i32_0 : i32, i32, i32
  }
  func.func @transform_1(%arg0: i32) -> (i32, i32) {
    %c0_i32 = arith.constant 0 : i32
    %c0_i32_0 = arith.constant 0 : i32
    return %arg0, %c0_i32 : i32, i32
  }
  func.func @transform_2(%arg0: i32) -> (i32, i32) {
    %c0_i32 = arith.constant 0 : i32
    %c0_i32_0 = arith.constant 0 : i32
    return %arg0, %c0_i32 : i32, i32
  }
  func.func @transform_3(%arg0: i32) -> (i32, i32) {
    %c0_i32 = arith.constant 0 : i32
    %c0_i32_0 = arith.constant 0 : i32
    %c0_i32_1 = arith.constant 0 : i32
    return %c0_i32, %c0_i32_0 : i32, i32
  }
  func.func @transform_4(%arg0: i32) -> (i32, i32) {
    %c0_i32 = arith.constant 0 : i32
    %c0_i32_0 = arith.constant 0 : i32
    %c0_i32_1 = arith.constant 0 : i32
    return %c0_i32, %c0_i32_0 : i32, i32
  }
  func.func @transform_5(%arg0: i32) -> (i32, i32) {
    %c0_i32 = arith.constant 0 : i32
    %c0_i32_0 = arith.constant 0 : i32
    return %arg0, %c0_i32 : i32, i32
  }
  func.func @transform_6(%arg0: i32) -> (i32, i32) {
    %c0_i32 = arith.constant 0 : i32
    %c0_i32_0 = arith.constant 0 : i32
    return %arg0, %c0_i32 : i32, i32
  }
  func.func @transform_7(%arg0: i32) -> (i32, i32) {
    %c0_i32 = arith.constant 0 : i32
    %c0_i32_0 = arith.constant 0 : i32
    return %arg0, %c0_i32 : i32, i32
  }
  func.func @transform_8(%arg0: i32) -> (i32, i32) {
    %c0_i32 = arith.constant 0 : i32
    %c0_i32_0 = arith.constant 0 : i32
    return %arg0, %c0_i32 : i32, i32
  }
}

</mosaic_0001>

<sc_bundles>
// kernel: kernel.11.cloned.1.call-start
scs
__scs_entry_jumppad:
0x0: {  	(pc) =	sbr.rel $0x88, $3  }
0x1: {  	(tag) =	ssettag $0x0;
	lr =	simm.s32 $0x1  }
0x2: {  	[smem:$0x3F99] =	sst lr;
	_ =	strace $0xD0000000  }
0x3: {  	_ = 	snop  }
0x4: {  	_ = 	snop  }
0x5: {  	_ = 	snop  }
0x6: {  	_ = 	snop  }
0x7: {  	_ = 	snop  }
__scs_overlays_trampoline_lowered:
0x8: {  	[smem:$0x3FA8] =	sst s0  }
0x9: {  	[smem:$0x3FA9] =	sst s1  }
0xa: {  	[smem:$0x3FAA] =	sst s2  }
0xb: {  	[smem:$0x3FAB] =	sst s3  }
0xc: {  	[smem:$0x3FAC] =	sst s4  }
0xd: {  	[smem:$0x3FAD] =	sst s5  }
0xe: {  	[smem:$0x3FAE] =	sst s6  }
0xf: {  	[smem:$0x3FAF] =	sst s7  }
0x10: {  	[smem:$0x3FB0] =	sst s8  }
0x11: {  	[smem:$0x3FB1] =	sst s9;
	s0 =	simm.s32 @!p0 $0x0  }
0x12: {  	s1 =	sld [smem:$0x3F97];
	s0 =	simm.s32 @p0 $0x1  }
0x13: {  	[smem:$0x3FB2] =	sst s0;
	s0 =	simm.s32 @!p1 $0x0  }
0x14: {  	s2 =	sld [smem:$0x3F96];
	s0 =	simm.s32 @p1 $0x1  }
0x15: {  	[smem:$0x3FB3] =	sst s0;
	s0 =	simm.s32 @!p2 $0x0  }
0x16: {  	s3 =	sld [smem:$0x3FDB];
	s0 =	simm.s32 @p2 $0x1  }
0x17: {  	s4 =	simm.s32 $0x1BF5;
	[smem:$0x3FB5] =	sst s0  }
0x18: {  	s0 =	sld [smem:$0x3F98];
	_ =	swait.ge [sflag:s4], $0x0  }
0x19: {  	s7 =	sld [smem:$0x3F99]  }
0x1a: {  	s8 =	sadd.s32 $0xFFFFE003, lr  }
0x1b: {  	s9 =	sadd.s32 $0xFFFFFEF7, lr;
	s5 =	simm.s32 $0xFFFFFFFF;
	p2 =	slt.u32 s8, $0xFFFFF086  }
0x1c: {  	p1 =	slt.u32 s9, $0xF7A;
	s5 =	simm.s32 @!p2 $0x0  }
0x1d: {  	s5 =	simm.s32 @p1 $0x1;
	p0 =	seq.s32 s7, s2  }
0x1e: {  	s7 =	smul.u32 @!p0 $0xF7A, s2;
	p2 =	seq.s32 @!p0 s5, $0x0  }
0x1f: {  	s9 =	smul.u32 $0xF7A, s1;
	s8 =	simm.s32 @!p0 $0x1BF5;
	p2 =	por !p2, p0  }
0x20: {  	[sflag:s8] =	ssyncset.s32 @!p0 $0xFFFFF086;
	s6 =	sadd.s32 @!p0 s3, s7;
	s7 =	simm.s32 @!p0 $0x108  }
0x21: {  	s3 =	sadd.s32 s3, s9;
	s6 =	sadd.s32 @!p0 $0x88, s6;
	s7 =	simm.s32 @p2 $0x1082  }
0x22: {  	[simem:s7], [sflag:s8] =	dma.local @!p0 [hbm:s6], $0xF7A  }
0x23: {  	s9 =	sor.u32 $0xD0000000, s2;
	s6 =	simm.s32 $0x108;
	_ =	swait.ge @!p0 [sflag:s8], $0x0  }
0x24: {  	s3 =	sadd.s32 $0x88, s3;
	s6 =	simm.s32 @!p1 $0x1082;
	[sflag:s4] =	ssyncset.s32 $0xFFFFF086  }
0x25: {  	[simem:s6], [sflag:s4] =	dma.local [hbm:s3], $0xF7A  }
0x26: {  	[smem:$0x3F99] =	sst s1;
	(tag) =	ssettag s2;
	_ =	strace s9  }
0x27: {  	s1 =	sld [smem:$0x3FA9]  }
0x28: {  	s2 =	sld [smem:$0x3FAA]  }
0x29: {  	s4 =	sld [smem:$0x3FAC]  }
0x2a: {  	p0 =	seq.s32 s5, $0x0;
	s5 =	sld [smem:$0x3FAD]  }
0x2b: {  	s6 =	sld [smem:$0x3FAE]  }
0x2c: {  	s7 =	sld [smem:$0x3FAF]  }
0x2d: {  	s3 =	simm.s32 $0x108;
	s8 =	sld [smem:$0x3FB0]  }
0x2e: {  	s3 =	simm.s32 @!p0 $0x1082;
	s9 =	sld [smem:$0x3FB1]  }
0x2f: {  	lr =	sadd.s32 s0, s3;
	s0 =	sld [smem:$0x3FA8]  }
0x30: {  	s3 =	sld [smem:$0x3FAB]  }
0x31: {  	[smem:$0x3FB4] =	sst s10  }
0x32: {  	s10 =	sld [smem:$0x3FB2];
	_ =	sdelay $0x3  }
0x33: {  	p0 =	seq.s32 s10, $0x1;
	s10 =	sld [smem:$0x3FB4];
	_ =	sdelay $0x3  }
0x34: {  	[smem:$0x3FB4] =	sst s10  }
0x35: {  	s10 =	sld [smem:$0x3FB3];
	_ =	sdelay $0x3  }
0x36: {  	p1 =	seq.s32 s10, $0x1;
	s10 =	sld [smem:$0x3FB4];
	_ =	sdelay $0x3  }
0x37: {  	[smem:$0x3FB4] =	sst s10  }
0x38: {  	s10 =	sld [smem:$0x3FB5]  }
0x39: {  	_ = 	snop;
	(pc) =	sbr.ind lr, $3  }
0x3a: {  	_ = 	snop  }
0x3b: {  	_ = 	snop  }
0x3c: {  	p2 =	seq.s32 s10, $0x1;
	s10 =	sld [smem:$0x3FB4]  }
0x3d: {  	_ =	shalt  }
0x3e: {  	_ =	shalt  }
0x3f: {  	_ =	shalt  }
0x40: {  	_ =	shalt  }
0x41: {  	_ =	shalt  }
0x42: {  	_ =	shalt  }
0x43: {  	_ =	shalt  }
0x44: {  	_ =	shalt  }
0x45: {  	_ =	shalt  }
0x46: {  	_ =	shalt  }
0x47: {  	_ =	shalt  }
0x48: {  	_ =	shalt  }
0x49: {  	_ =	shalt  }
0x4a: {  	_ =	shalt  }
0x4b: {  	_ =	shalt  }
0x4c: {  	_ =	shalt  }
0x4d: {  	_ =	shalt  }
0x4e: {  	_ =	shalt  }
0x4f: {  	_ =	shalt  }
0x50: {  	_ =	shalt  }
0x51: {  	_ =	shalt  }
0x52: {  	_ =	shalt  }
0x53: {  	_ =	shalt  }
0x54: {  	_ =	shalt  }
0x55: {  	_ =	shalt  }
0x56: {  	_ =	shalt  }
0x57: {  	_ =	shalt  }
0x58: {  	_ =	shalt  }
0x59: {  	_ =	shalt  }
0x5a: {  	_ =	shalt  }
0x5b: {  	_ =	shalt  }
0x5c: {  	_ =	shalt  }
0x5d: {  	_ =	shalt  }
0x5e: {  	_ =	shalt  }
0x5f: {  	_ =	shalt  }
0x60: {  	_ =	shalt  }
0x61: {  	_ =	shalt  }
0x62: {  	_ =	shalt  }
0x63: {  	_ =	shalt  }
0x64: {  	_ =	shalt  }
0x65: {  	_ =	shalt  }
0x66: {  	_ =	shalt  }
0x67: {  	_ =	shalt  }
0x68: {  	_ =	shalt  }
0x69: {  	_ =	shalt  }
0x6a: {  	_ =	shalt  }
0x6b: {  	_ =	shalt  }
0x6c: {  	_ =	shalt  }
0x6d: {  	_ =	shalt  }
0x6e: {  	_ =	shalt  }
0x6f: {  	_ =	shalt  }
0x70: {  	_ =	shalt  }
0x71: {  	_ =	shalt  }
0x72: {  	_ =	shalt  }
0x73: {  	_ =	shalt  }
0x74: {  	_ =	shalt  }
0x75: {  	_ =	shalt  }
0x76: {  	_ =	shalt  }
0x77: {  	_ =	shalt  }
0x78: {  	_ =	shalt  }
0x79: {  	_ =	shalt  }
0x7a: {  	_ =	shalt  }
0x7b: {  	_ =	shalt  }
0x7c: {  	_ =	shalt  }
0x7d: {  	_ =	shalt  }
0x7e: {  	_ =	shalt  }
0x7f: {  	_ =	shalt  }
0x80: {  	_ =	shalt  }
0x81: {  	_ =	shalt  }
0x82: {  	_ =	shalt  }
0x83: {  	_ =	shalt  }
0x84: {  	_ =	shalt  }
0x85: {  	_ =	shalt  }
0x86: {  	_ =	shalt  }
0x87: {  	_ =	shalt  }
.Lfunc_end0:
.L_simem_size_0:
called_computation.1_lowered:
.L_overlay_start_0:
0x88: {  	s2 =	sld [smem:$0x3FD9]  }
0x89: {  	s3 =	sld [smem:$0x3FFE];
	_ =	sdelay $0x1  }
0x8a: {  	s1 =	srdreg.scid  }
0x8b: {  	s0 =	sand.u32 $0x1, s1  }
0x8c: {  	s14 =	sshll.u32 s0, $0xA;
	s2 =	sadd.s32 s3, s2  }
0x8d: {  	s2 =	sadd.s32 s2, s14  }
0x8e: {  	[smem:$0x3FC0] =	sst s2  }
0x8f: {  	_ = 	snop  }
0x90: {  	s2 =	sld [smem:$0x3FD0];
	_ =	sdelay $0x2  }
0x91: {  	s15 =	simm.s32 $0xA;
	s4 =	simm.s32 $0x10  }
0x92: {  	[smem:s4], [sflag:s15] =	dma.local [hbm:s2], $0x1  }
0x93: {  	_ =	swait.eq [sflag:s15], $0x1  }
0x94: {  	[sflag:s15] =	ssyncset.done $0x0  }
0x95: {  	s16 =	sld [smem:$0x11];
	[sflag:s15] =	ssyncadd.s32 $0xFFFFFFFF  }
0x96: {  	s17 =	sld [smem:$0x12];
	(tm) =	ssettm $0x1  }
0x97: {  	s18 =	sld [smem:$0x3FFB];
	_ =	sdelay $0x3  }
0x98: {  	_ =	strace s18  }
0x99: {  	s4 =	sld [smem:$0x3FFC];
	_ =	sdelay $0x3  }
0x9a: {  	_ =	strace s4  }
0x9b: {  	s4 =	sld [smem:$0x3FFD];
	_ =	sdelay $0x3  }
0x9c: {  	_ =	strace s4  }
0x9d: {  	_ =	strace $0x8FFFFFFF  }
0x9e: {  	s19 =	sld [smem:$0x3FDB];
	_ =	sdelay $0x1  }
0x9f: {  	s5 =	simm.s32 $_scs_section_size  }
0xa0: {  	s6 =	simm.s32 $_size__tile_overlayer_lowered;
	s7 =	simm.s32 $_tile_overlayer_lowered  }
0xa1: {  	s22 =	simm.s32 $0x1BFF;
	s21 =	sshll.u32 s7, $0x1;
	s4 =	sadd.s32 s5, s19  }
0xa2: {  	s8 =	simm.s32 $0x0;
	s20 =	sshll.u32 s6, $0x1;
	s6 =	sadd.s32 s21, s4  }
0xa3: {  	[timem:s8], [sflag:s22] =	dma.local [hbm:s6], s20  }
0xa4: {  	_ =	swait.ge [sflag:s22], s20  }
0xa5: {  	s5 =	ssub.s32 $0x0, s20;
	[sflag:s22] =	ssyncset.done $0x0  }
0xa6: {  	[sflag:s22] =	ssyncadd.s32 s5;
	_ =	sdelay $0x1  }
0xa7: {  	s23 =	simm.s32 $0x1B8B  }
0xa8: {  	_ =	swait.ge [sflag:s23], $0x1  }
0xa9: {  	[sflag:s23] =	ssyncset.done $0x0  }
0xaa: {  	s25 =	simm.s32 $0x1B8E;
	s24 =	sld [smem:$0x3FFE];
	[sflag:s23] =	ssyncadd.s32 $0xFFFFFFFF  }
0xab: {  	s26 =	simm.s32 $execute0_lowered;
	[smem:$0x3FD2] =	sst s25  }
0xac: {  	s6 =	sshll.u32 s26, $0x1;
	_ =	strace $0x80000049;
	[dreg:$0x1] =	wrdreg $0xFFFFFFFF  }
0xad: {  	s28 =	simm.s32 $_size_execute0_lowered;
	s4 =	sadd.s32 s4, s6;
	[dreg:$0x0] =	wrdreg $0x0  }
0xae: {  	s6 =	sshll.u32 s28, $0x1;
	[dreg:$0x2] =	wrdreg s4  }
0xaf: {  	[dreg:$0x3] =	wrdreg s6  }
0xb0: {  	[dreg:$0x4] =	wrdreg $0xC0  }
0xb1: {  	_ =	task [dreg:s8], $0x5FFFF  }
0xb2: {  	[dreg:$0x1] =	wrdreg $0xFFFFFFFF  }
0xb3: {  	[dreg:$0x0] =	wrdreg $0x60  }
0xb4: {  	[dreg:$0x2] =	wrdreg s24  }
0xb5: {  	[dreg:$0x3] =	wrdreg s17  }
0xb6: {  	[dreg:$0x4] =	wrdreg s16  }
0xb7: {  	[dreg:$0x5] =	wrdreg $0x0  }
0xb8: {  	[dreg:$0x6] =	wrdreg $0x9  }
0xb9: {  	_ =	task.clear_ibuf [dreg:s8], $0x7FFFF;
	_ =	strace $0x90000049  }
0xba: {  	s29 =	simm.s32 $0x9;
	_ =	strace $0x8000004B  }
0xbb: {  	_ =	swait.ge [sflag:s29], $0x1  }
0xbc: {  	[sflag:s29] =	ssyncadd.s32 $0xFFFFFFFF  }
0xbd: {  	_ =	strace $0x9000004B  }
0xbe: {  	_ =	sfence  }
0xbf: {  	s30 =	sld [smem:$0x0];
	_ =	sdelay $0x2  }
0xc0: {  	s31 =	sshll.u32 s1, $0xD;
	s1 =	sshrl.u32 s1, $0x2  }
0xc1: {  	s3 =	sand.u32 $0x4000, s31;
	s1 =	sadd.s32 s1, s30  }
0xc2: {  	s0 =	sor.u32 s3, s0;
	s1 =	sshll.u32 s1, $0x11  }
0xc3: {  	s0 =	sor.u32 s1, s0  }
0xc4: {  	s0 =	sadd.s32 $0x8F2B, s0  }
0xc5: {  	[sflag:s0] =	ssyncadd.remote.s32 $0x1  }
0xc6: {  	_ =	sfence.sel $0xFFFF  }
0xc7: {  	[dreg:$0x0] =	wrdreg $0xFFFFFFFF;
	(pc) =	sbr.abs _section_cstart, $3  }
0xc8: {  	[dreg:$0x1] =	wrdreg $0xFFFFFFFF  }
0xc9: {  	_ =	task.clear_ibuf [dreg:s8], $0x2FFFF;
	_ =	strace $0x9FFFFFFF  }
0xca: {  	(tm) =	ssettm $0x7FFFFFFF  }
0xcb: {  	_ =	shalt  }
tec
execute0_lowered:
.L_overlay_start_1:
0x0: {  	(tag) =	ssettag $0x1  }
0x1: {  	s5 =	rddreg [dreg:$0x0]  }
0x2: {  	s7 =	rddreg [dreg:$0x1]  }
0x3: {  	s8 =	rddreg [dreg:$0x2]  }
0x4: {  	s1 =	rddreg [dreg:$0x3]  }
0x5: {  	s0 =	rddreg [dreg:$0x4];
	s2 =	simm.s32 $0x0  }
0x6: {  	s3 =	srdreg.scid;
	s15 =	simm.s32 $0x16800;
	s16 =	simm.s32 $0x1  }
0x7: {  	s17 =	simm.s32 $0x14080;
	s18 =	simm.s32 $0x1A800;
	s6 =	sand.u32 $0x1, s3  }
0x8: {  	s19 =	simm.s32 $0x2;
	s3 =	stileid.u32;
	s9 =	smul.u32 $0x28000, s6  }
0x9: {  	s20 =	simm.s32 $0x15480;
	s21 =	simm.s32 $0x3;
	s10 =	smul.u32 $0x50000, s3  }
0xa: {  	s22 =	simm.s32 $0x14100;
	[smem:$0x7FF] =	sst s2;
	s23 =	smul.u32 $0x2800, s3  }
0xb: {  	s4 =	sadd.s32 $0x3000, s5;
	_ =	strace $0x8000004A;
	s12 =	smul.u32 $0x5000, s6  }
0xc: {  	s30 =	ssub.s32 $0x2, s6;
	s31 =	sshll.u32 s3, $0x6;
	s14 =	smul.u32 $0x500, s3  }
0xd: {  	s11 =	sshrl.u32 s30, $0x1;
	s6 =	sor.u32 $0x1C04, s31;
	s9 =	sadd.s32 s9, s5  }
0xe: {  	s10 =	sshrl.u32 s10, $0x2;
	s11 =	ssub.s32 s30, s11;
	s5 =	sadd.s32 s4, s23  }
.Ltmp0:
0xf: {  	s13 =	sadd.s32 s7, s12;
	s12 =	sadd.s32 s8, s12;
	(pc) =	sbr.rel .LBB2_1-.Ltmp0, $4  }
0x10: {  	s10 =	sadd.s32 s10, s1;
	s24 =	sadd.s32 $0x53000, s9;
	s7 =	smax.u32 s11, $0x1  }
0x11: {  	s9 =	simm.s32 $0x4;
	s11 =	simm.s32 $0x14000;
	s12 =	sadd.s32 s14, s12  }
0x12: {  	s8 =	sshrl.u32 s10, $0x3;
	s10 =	sadd.s32 s14, s13;
	s13 =	simm.s32 $0x15400  }
0x13: {  	s14 =	simm.s32 $0x80;
	s23 =	sadd.s32 s23, s24;
	s24 =	simm.s32 $0x0  }
.LBB2_7:
0x14: {  	_ =	swait.ge [sflag:s21], $0x4000  }
0x15: {  	s24 =	sadd.s32 $0x1, s24;
	[sflag:s21] =	ssyncset.done $0x0  }
0x16: {  	p0 =	sne.s32 s24, s7;
	[sflag:s21] =	ssyncadd.s32 $0xFFFFC000  }
.Ltmp1:
0x17: {  	[bflag:$0x0] =	sbarrier.arrive $0xFFFF;
	(pc) =	sbr.rel @!p0 .LBB2_8-.Ltmp1, $4  }
0x18: {  	[hbm:s23], [sflag:s6] =	dma.local [spmem:s8], $0x2800  }
0x19: {  	_ =	swait.ge [sflag:s9], $0x2800  }
0x1a: {  	[sflag:s9] =	ssyncset.done $0x0  }
0x1b: {  	[sflag:s9] =	ssyncadd.s32 $0xFFFFD800  }
.LBB2_1:
0x1c: {  	[spmem:s8], [sflag:s6] =	dma.local [hbm:s5], $0x2800  }
0x1d: {  	_ =	swait.ge [sflag:s9], $0x2800  }
0x1e: {  	[sflag:s9] =	ssyncset.done $0x0  }
0x1f: {  	[sflag:s9] =	ssyncadd.s32 $0xFFFFD800  }
0x20: {  	[bflag:$0x0] =	sbarrier.arrive $0xFFFF  }
0x21: {  	[tilespmem:s11], [sflag:$0x4] =	stream.linear.gather [hbm4b:s10+s2], $0x1400, $0x38;
	[tilespmem:$0x1E800] =	vst v63  }
0x22: {  	_ =	swait.ge [sflag:s9], $0x1400  }
0x23: {  	[sflag:s9] =	ssyncset.done $0x0  }
0x24: {  	[sflag:s9] =	ssyncadd.s32 $0xFFFFEC00  }
0x25: {  	[tilespmem:s13], [sflag:$0x4] =	stream.linear.gather [hbm4b:s12+s2], $0x1400, $0x38;
	[tilespmem:$0x1E800] =	vst v63  }
0x26: {  	_ =	swait.ge [sflag:s9], $0x1400  }
0x27: {  	[sflag:s9] =	ssyncset.done $0x0  }
0x28: {  	[sflag:s9] =	ssyncadd.s32 $0xFFFFEC00  }
0x29: {  	[tilespmem:s15], [sflag:$0x1] =	stream.indirect.gather [hbm4b:s4+s14], $0x80, s11, s14, $0xb8;
	[tilespmem:$0x1E800] =	vst v63  }
0x2a: {  	_ =	swait.ge [sflag:s16], $0x4000  }
0x2b: {  	[sflag:s16] =	ssyncset.done $0x0  }
0x2c: {  	[sflag:s16] =	ssyncadd.s32 $0xFFFFC000  }
0x2d: {  	[spmem:s1] =	stream.indirect.scatter.add.f32 [tilespmem:s15], [sflag:$0x3], $0x80, s13, s14, $0xb8;
	[tilespmem:$0x1E800] =	vst v63  }
0x2e: {  	_ = 	snop  }
0x2f: {  	[tilespmem:s18], [sflag:$0x2] =	stream.indirect.gather [hbm4b:s4+s14], $0x80, s17, s14, $0xb8;
	[tilespmem:$0x1E800] =	vst v63  }
0x30: {  	_ =	swait.ge [sflag:s19], $0x4000  }
0x31: {  	[sflag:s19] =	ssyncset.done $0x0  }
0x32: {  	[sflag:s19] =	ssyncadd.s32 $0xFFFFC000  }
0x33: {  	[spmem:s1] =	stream.indirect.scatter.add.f32 [tilespmem:s18], [sflag:$0x3], $0x80, s20, s14, $0xb8;
	[tilespmem:$0x1E800] =	vst v63  }
0x34: {  	_ =	swait.ge [sflag:s21], $0x4000  }
0x35: {  	[sflag:s21] =	ssyncset.done $0x0  }
0x36: {  	s25 =	simm.s32 $0xFFFFB800;
	[sflag:s21] =	ssyncadd.s32 $0xFFFFC000  }
0x37: {  	[tilespmem:s15], [sflag:$0x1] =	stream.indirect.gather [hbm4b:s4+s14], $0x80, s22, s14, $0xb8;
	[tilespmem:$0x1E800] =	vst v63  }
.LBB2_2:
0x38: {  	_ =	swait.ge [sflag:s16], $0x4000  }
0x39: {  	s26 =	sshra.s32 s25, $0x2;
	[sflag:s16] =	ssyncset.done $0x0  }
0x3a: {  	s28 =	sadd.s32 $0x16700, s26;
	[sflag:s16] =	ssyncadd.s32 $0xFFFFC000  }
0x3b: {  	[spmem:s1] =	stream.indirect.scatter.add.f32 [tilespmem:s15], [sflag:$0x3], $0x80, s28, s14, $0xb8;
	[tilespmem:$0x1E800] =	vst v63  }
0x3c: {  	_ =	swait.ge [sflag:s21], $0x4000  }
0x3d: {  	[sflag:s21] =	ssyncset.done $0x0  }
0x3e: {  	s30 =	sadd.s32 $0x15380, s26;
	[sflag:s21] =	ssyncadd.s32 $0xFFFFC000  }
0x3f: {  	[tilespmem:s18], [sflag:$0x2] =	stream.indirect.gather [hbm4b:s4+s14], $0x80, s30, s14, $0xb8;
	[tilespmem:$0x1E800] =	vst v63  }
0x40: {  	_ =	swait.ge [sflag:s19], $0x4000  }
0x41: {  	p0 =	seq.s32 s25, $0x0;
	[sflag:s19] =	ssyncset.done $0x0  }
.Ltmp2:
0x42: {  	s31 =	sadd.s32 $0x16780, s26;
	[sflag:s19] =	ssyncadd.s32 $0xFFFFC000;
	(pc) =	sbr.rel @p0 .LBB2_4-.Ltmp2, $4  }
0x43: {  	[spmem:s1] =	stream.indirect.scatter.add.f32 [tilespmem:s18], [sflag:$0x3], $0x80, s31, s14, $0xb8;
	[tilespmem:$0x1E800] =	vst v63  }
0x44: {  	_ =	swait.ge [sflag:s21], $0x4000  }
0x45: {  	[sflag:s21] =	ssyncset.done $0x0  }
0x46: {  	[sflag:s21] =	ssyncadd.s32 $0xFFFFC000  }
.Ltmp3:
0x47: {  	(pc) =	sbr.rel .LBB2_2-.Ltmp3, $3  }
0x48: {  	_ =	sdelay $0x1  }
0x49: {  	s26 =	sadd.s32 $0x15400, s26;
	s25 =	sadd.s32 $0x400, s25  }
0x4a: {  	[tilespmem:s15], [sflag:$0x1] =	stream.indirect.gather [hbm4b:s4+s14], $0x80, s26, s14, $0xb8;
	[tilespmem:$0x1E800] =	vst v63  }
.LBB2_4:
0x4b: {  	_ =	swait.ge [sflag:s21], $0x4000  }
0x4c: {  	[sflag:s21] =	ssyncset.done $0x0  }
0x4d: {  	s25 =	sadd.s32 $0x280, s10;
	[sflag:s21] =	ssyncadd.s32 $0xFFFFC000  }
0x4e: {  	[tilespmem:s11], [sflag:$0x4] =	stream.linear.gather [hbm4b:s25+s2], $0x1400, $0x38;
	[tilespmem:$0x1E800] =	vst v63  }
0x4f: {  	_ =	swait.ge [sflag:s9], $0x1400  }
0x50: {  	[sflag:s9] =	ssyncset.done $0x0  }
0x51: {  	s31 =	sadd.s32 $0x280, s12;
	[sflag:s9] =	ssyncadd.s32 $0xFFFFEC00  }
0x52: {  	[tilespmem:s13], [sflag:$0x4] =	stream.linear.gather [hbm4b:s31+s2], $0x1400, $0x38;
	[tilespmem:$0x1E800] =	vst v63  }
0x53: {  	_ =	swait.ge [sflag:s9], $0x1400  }
0x54: {  	[sflag:s9] =	ssyncset.done $0x0  }
0x55: {  	[sflag:s9] =	ssyncadd.s32 $0xFFFFEC00  }
0x56: {  	[tilespmem:s15], [sflag:$0x1] =	stream.indirect.gather [hbm4b:s4+s14], $0x80, s11, s14, $0xb8;
	[tilespmem:$0x1E800] =	vst v63  }
0x57: {  	_ =	swait.ge [sflag:s16], $0x4000  }
0x58: {  	[sflag:s16] =	ssyncset.done $0x0  }
0x59: {  	[sflag:s16] =	ssyncadd.s32 $0xFFFFC000  }
0x5a: {  	[spmem:s1] =	stream.indirect.scatter.add.f32 [tilespmem:s15], [sflag:$0x3], $0x80, s13, s14, $0xb8;
	[tilespmem:$0x1E800] =	vst v63  }
0x5b: {  	_ = 	snop  }
0x5c: {  	[tilespmem:s18], [sflag:$0x2] =	stream.indirect.gather [hbm4b:s4+s14], $0x80, s17, s14, $0xb8;
	[tilespmem:$0x1E800] =	vst v63  }
0x5d: {  	_ =	swait.ge [sflag:s19], $0x4000  }
0x5e: {  	[sflag:s19] =	ssyncset.done $0x0  }
0x5f: {  	[sflag:s19] =	ssyncadd.s32 $0xFFFFC000  }
0x60: {  	[spmem:s1] =	stream.indirect.scatter.add.f32 [tilespmem:s18], [sflag:$0x3], $0x80, s20, s14, $0xb8;
	[tilespmem:$0x1E800] =	vst v63  }
0x61: {  	_ =	swait.ge [sflag:s21], $0x4000  }
0x62: {  	[sflag:s21] =	ssyncset.done $0x0  }
0x63: {  	s25 =	simm.s32 $0xFFFFB800;
	[sflag:s21] =	ssyncadd.s32 $0xFFFFC000  }
0x64: {  	[tilespmem:s15], [sflag:$0x1] =	stream.indirect.gather [hbm4b:s4+s14], $0x80, s22, s14, $0xb8;
	[tilespmem:$0x1E800] =	vst v63  }
.LBB2_5:
0x65: {  	_ =	swait.ge [sflag:s16], $0x4000  }
0x66: {  	s26 =	sshra.s32 s25, $0x2;
	[sflag:s16] =	ssyncset.done $0x0  }
0x67: {  	s28 =	sadd.s32 $0x16700, s26;
	[sflag:s16] =	ssyncadd.s32 $0xFFFFC000  }
0x68: {  	[spmem:s1] =	stream.indirect.scatter.add.f32 [tilespmem:s15], [sflag:$0x3], $0x80, s28, s14, $0xb8;
	[tilespmem:$0x1E800] =	vst v63  }
0x69: {  	_ =	swait.ge [sflag:s21], $0x4000  }
0x6a: {  	[sflag:s21] =	ssyncset.done $0x0  }
0x6b: {  	s30 =	sadd.s32 $0x15380, s26;
	[sflag:s21] =	ssyncadd.s32 $0xFFFFC000  }
0x6c: {  	[tilespmem:s18], [sflag:$0x2] =	stream.indirect.gather [hbm4b:s4+s14], $0x80, s30, s14, $0xb8;
	[tilespmem:$0x1E800] =	vst v63  }
0x6d: {  	_ =	swait.ge [sflag:s19], $0x4000  }
0x6e: {  	p0 =	seq.s32 s25, $0x0;
	[sflag:s19] =	ssyncset.done $0x0  }
.Ltmp4:
0x6f: {  	s31 =	sadd.s32 $0x16780, s26;
	[sflag:s19] =	ssyncadd.s32 $0xFFFFC000;
	(pc) =	sbr.rel @p0 .LBB2_7-.Ltmp4, $4  }
0x70: {  	[spmem:s1] =	stream.indirect.scatter.add.f32 [tilespmem:s18], [sflag:$0x3], $0x80, s31, s14, $0xb8;
	[tilespmem:$0x1E800] =	vst v63  }
0x71: {  	_ =	swait.ge [sflag:s21], $0x4000  }
0x72: {  	[sflag:s21] =	ssyncset.done $0x0  }
0x73: {  	[sflag:s21] =	ssyncadd.s32 $0xFFFFC000  }
.Ltmp5:
0x74: {  	(pc) =	sbr.rel .LBB2_5-.Ltmp5, $3  }
0x75: {  	_ =	sdelay $0x1  }
0x76: {  	s26 =	sadd.s32 $0x15400, s26;
	s25 =	sadd.s32 $0x400, s25  }
0x77: {  	[tilespmem:s15], [sflag:$0x1] =	stream.indirect.gather [hbm4b:s4+s14], $0x80, s26, s14, $0xb8;
	[tilespmem:$0x1E800] =	vst v63  }
.LBB2_8:
0x78: {  	_ =	sfence.sel $0x180000  }
0x79: {  	[bflag:$0x0] =	sbarrier.arrive $0xFFFF  }
0x7a: {  	p0 =	sne.s32 s3, $0x0;
	_ =	strace $0x9000004A  }
0x7b: {  	s0 =	sadd.s32 @!p0 $0x100000, s0;
	[bflag:$0x2] =	sbarrier.arrive $0xFFFF  }
0x7c: {  	[sflag:s0] =	ssyncadd.tile.s32 @!p0 $0x1;
	_ =	shalt  }
.Lfunc_end2:
_tile_overlayer_lowered:
.L_overlay_start_2:
0x7d: {  	(tag) =	ssettag $0x2  }
0x7e: {  	s0 =	rddreg [dreg:$0x0];
	s2 =	stileid.u32  }
0x7f: {  	s1 =	rddreg [dreg:$0x1];
	p0 =	sne.s32 s2, $0x0  }
0x80: {  	s3 =	rddreg [dreg:$0x2];
	[bflag:$0x3] =	sbarrier.arrive $0xFFFF;
	s2 =	simm.s32 @!p0 $0x1C04  }
0x81: {  	[timem:s3], [sflag:s2] =	dma.local @!p0 [hbm:s0], s1  }
0x82: {  	s0 =	simm.s32 @!p0 $0x4  }
0x83: {  	_ =	swait.ge @!p0 [sflag:s0], s1  }
0x84: {  	s1 =	ssub.s32 @!p0 $0x0, s1;
	[sflag:s0] =	ssyncset.done @!p0 $0x0  }
0x85: {  	[sflag:s0] =	ssyncadd.s32 @!p0 s1  }
0x86: {  	[bflag:$0x3] =	sbarrier.arrive $0xFFFF  }
0x87: {  	_ =	shalt  }

// kernel: kernel.14.cloned.1.call-start
scs
__scs_entry_jumppad:
0x0: {  	(pc) =	sbr.rel $0x88, $3  }
0x1: {  	(tag) =	ssettag $0x0;
	lr =	simm.s32 $0x1  }
0x2: {  	[smem:$0x3F99] =	sst lr;
	_ =	strace $0xD0000000  }
0x3: {  	_ = 	snop  }
0x4: {  	_ = 	snop  }
0x5: {  	_ = 	snop  }
0x6: {  	_ = 	snop  }
0x7: {  	_ = 	snop  }
__scs_overlays_trampoline_lowered:
0x8: {  	[smem:$0x3FA8] =	sst s0  }
0x9: {  	[smem:$0x3FA9] =	sst s1  }
0xa: {  	[smem:$0x3FAA] =	sst s2  }
0xb: {  	[smem:$0x3FAB] =	sst s3  }
0xc: {  	[smem:$0x3FAC] =	sst s4  }
0xd: {  	[smem:$0x3FAD] =	sst s5  }
0xe: {  	[smem:$0x3FAE] =	sst s6  }
0xf: {  	[smem:$0x3FAF] =	sst s7  }
0x10: {  	[smem:$0x3FB0] =	sst s8  }
0x11: {  	[smem:$0x3FB1] =	sst s9;
	s0 =	simm.s32 @!p0 $0x0  }
0x12: {  	s1 =	sld [smem:$0x3F97];
	s0 =	simm.s32 @p0 $0x1  }
0x13: {  	[smem:$0x3FB2] =	sst s0;
	s0 =	simm.s32 @!p1 $0x0  }
0x14: {  	s2 =	sld [smem:$0x3F96];
	s0 =	simm.s32 @p1 $0x1  }
0x15: {  	[smem:$0x3FB3] =	sst s0;
	s0 =	simm.s32 @!p2 $0x0  }
0x16: {  	s3 =	sld [smem:$0x3FDB];
	s0 =	simm.s32 @p2 $0x1  }
0x17: {  	s4 =	simm.s32 $0x1BF5;
	[smem:$0x3FB5] =	sst s0  }
0x18: {  	s0 =	sld [smem:$0x3F98];
	_ =	swait.ge [sflag:s4], $0x0  }
0x19: {  	s7 =	sld [smem:$0x3F99]  }
0x1a: {  	s8 =	sadd.s32 $0xFFFFE003, lr  }
0x1b: {  	s9 =	sadd.s32 $0xFFFFFEF7, lr;
	s5 =	simm.s32 $0xFFFFFFFF;
	p2 =	slt.u32 s8, $0xFFFFF086  }
0x1c: {  	p1 =	slt.u32 s9, $0xF7A;
	s5 =	simm.s32 @!p2 $0x0  }
0x1d: {  	s5 =	simm.s32 @p1 $0x1;
	p0 =	seq.s32 s7, s2  }
0x1e: {  	s7 =	smul.u32 @!p0 $0xF7A, s2;
	p2 =	seq.s32 @!p0 s5, $0x0  }
0x1f: {  	s9 =	smul.u32 $0xF7A, s1;
	s8 =	simm.s32 @!p0 $0x1BF5;
	p2 =	por !p2, p0  }
0x20: {  	[sflag:s8] =	ssyncset.s32 @!p0 $0xFFFFF086;
	s6 =	sadd.s32 @!p0 s3, s7;
	s7 =	simm.s32 @!p0 $0x108  }
0x21: {  	s3 =	sadd.s32 s3, s9;
	s6 =	sadd.s32 @!p0 $0x88, s6;
	s7 =	simm.s32 @p2 $0x1082  }
0x22: {  	[simem:s7], [sflag:s8] =	dma.local @!p0 [hbm:s6], $0xF7A  }
0x23: {  	s9 =	sor.u32 $0xD0000000, s2;
	s6 =	simm.s32 $0x108;
	_ =	swait.ge @!p0 [sflag:s8], $0x0  }
0x24: {  	s3 =	sadd.s32 $0x88, s3;
	s6 =	simm.s32 @!p1 $0x1082;
	[sflag:s4] =	ssyncset.s32 $0xFFFFF086  }
0x25: {  	[simem:s6], [sflag:s4] =	dma.local [hbm:s3], $0xF7A  }
0x26: {  	[smem:$0x3F99] =	sst s1;
	(tag) =	ssettag s2;
	_ =	strace s9  }
0x27: {  	s1 =	sld [smem:$0x3FA9]  }
0x28: {  	s2 =	sld [smem:$0x3FAA]  }
0x29: {  	s4 =	sld [smem:$0x3FAC]  }
0x2a: {  	p0 =	seq.s32 s5, $0x0;
	s5 =	sld [smem:$0x3FAD]  }
0x2b: {  	s6 =	sld [smem:$0x3FAE]  }
0x2c: {  	s7 =	sld [smem:$0x3FAF]  }
0x2d: {  	s3 =	simm.s32 $0x108;
	s8 =	sld [smem:$0x3FB0]  }
0x2e: {  	s3 =	simm.s32 @!p0 $0x1082;
	s9 =	sld [smem:$0x3FB1]  }
0x2f: {  	lr =	sadd.s32 s0, s3;
	s0 =	sld [smem:$0x3FA8]  }
0x30: {  	s3 =	sld [smem:$0x3FAB]  }
0x31: {  	[smem:$0x3FB4] =	sst s10  }
0x32: {  	s10 =	sld [smem:$0x3FB2];
	_ =	sdelay $0x3  }
0x33: {  	p0 =	seq.s32 s10, $0x1;
	s10 =	sld [smem:$0x3FB4];
	_ =	sdelay $0x3  }
0x34: {  	[smem:$0x3FB4] =	sst s10  }
0x35: {  	s10 =	sld [smem:$0x3FB3];
	_ =	sdelay $0x3  }
0x36: {  	p1 =	seq.s32 s10, $0x1;
	s10 =	sld [smem:$0x3FB4];
	_ =	sdelay $0x3  }
0x37: {  	[smem:$0x3FB4] =	sst s10  }
0x38: {  	s10 =	sld [smem:$0x3FB5]  }
0x39: {  	_ = 	snop;
	(pc) =	sbr.ind lr, $3  }
0x3a: {  	_ = 	snop  }
0x3b: {  	_ = 	snop  }
0x3c: {  	p2 =	seq.s32 s10, $0x1;
	s10 =	sld [smem:$0x3FB4]  }
0x3d: {  	_ =	shalt  }
0x3e: {  	_ =	shalt  }
0x3f: {  	_ =	shalt  }
0x40: {  	_ =	shalt  }
0x41: {  	_ =	shalt  }
0x42: {  	_ =	shalt  }
0x43: {  	_ =	shalt  }
0x44: {  	_ =	shalt  }
0x45: {  	_ =	shalt  }
0x46: {  	_ =	shalt  }
0x47: {  	_ =	shalt  }
0x48: {  	_ =	shalt  }
0x49: {  	_ =	shalt  }
0x4a: {  	_ =	shalt  }
0x4b: {  	_ =	shalt  }
0x4c: {  	_ =	shalt  }
0x4d: {  	_ =	shalt  }
0x4e: {  	_ =	shalt  }
0x4f: {  	_ =	shalt  }
0x50: {  	_ =	shalt  }
0x51: {  	_ =	shalt  }
0x52: {  	_ =	shalt  }
0x53: {  	_ =	shalt  }
0x54: {  	_ =	shalt  }
0x55: {  	_ =	shalt  }
0x56: {  	_ =	shalt  }
0x57: {  	_ =	shalt  }
0x58: {  	_ =	shalt  }
0x59: {  	_ =	shalt  }
0x5a: {  	_ =	shalt  }
0x5b: {  	_ =	shalt  }
0x5c: {  	_ =	shalt  }
0x5d: {  	_ =	shalt  }
0x5e: {  	_ =	shalt  }
0x5f: {  	_ =	shalt  }
0x60: {  	_ =	shalt  }
0x61: {  	_ =	shalt  }
0x62: {  	_ =	shalt  }
0x63: {  	_ =	shalt  }
0x64: {  	_ =	shalt  }
0x65: {  	_ =	shalt  }
0x66: {  	_ =	shalt  }
0x67: {  	_ =	shalt  }
0x68: {  	_ =	shalt  }
0x69: {  	_ =	shalt  }
0x6a: {  	_ =	shalt  }
0x6b: {  	_ =	shalt  }
0x6c: {  	_ =	shalt  }
0x6d: {  	_ =	shalt  }
0x6e: {  	_ =	shalt  }
0x6f: {  	_ =	shalt  }
0x70: {  	_ =	shalt  }
0x71: {  	_ =	shalt  }
0x72: {  	_ =	shalt  }
0x73: {  	_ =	shalt  }
0x74: {  	_ =	shalt  }
0x75: {  	_ =	shalt  }
0x76: {  	_ =	shalt  }
0x77: {  	_ =	shalt  }
0x78: {  	_ =	shalt  }
0x79: {  	_ =	shalt  }
0x7a: {  	_ =	shalt  }
0x7b: {  	_ =	shalt  }
0x7c: {  	_ =	shalt  }
0x7d: {  	_ =	shalt  }
0x7e: {  	_ =	shalt  }
0x7f: {  	_ =	shalt  }
0x80: {  	_ =	shalt  }
0x81: {  	_ =	shalt  }
0x82: {  	_ =	shalt  }
0x83: {  	_ =	shalt  }
0x84: {  	_ =	shalt  }
0x85: {  	_ =	shalt  }
0x86: {  	_ =	shalt  }
0x87: {  	_ =	shalt  }
.Lfunc_end0:
.L_simem_size_0:
called_computation.2_lowered:
.L_overlay_start_0:
0x88: {  	s2 =	sld [smem:$0x3FD9]  }
0x89: {  	s3 =	sld [smem:$0x3FFE];
	_ =	sdelay $0x1  }
0x8a: {  	s1 =	srdreg.scid  }
0x8b: {  	s0 =	sand.u32 $0x1, s1  }
0x8c: {  	s14 =	sshll.u32 s0, $0xA;
	s2 =	sadd.s32 s3, s2  }
0x8d: {  	s2 =	sadd.s32 s2, s14  }
0x8e: {  	[smem:$0x3FC0] =	sst s2  }
0x8f: {  	_ = 	snop  }
0x90: {  	s2 =	sld [smem:$0x3FD0];
	_ =	sdelay $0x2  }
0x91: {  	s15 =	simm.s32 $0xA;
	s4 =	simm.s32 $0x10  }
0x92: {  	[smem:s4], [sflag:s15] =	dma.local [hbm:s2], $0x1  }
0x93: {  	_ =	swait.eq [sflag:s15], $0x1  }
0x94: {  	[sflag:s15] =	ssyncset.done $0x0  }
0x95: {  	s16 =	sld [smem:$0x11];
	[sflag:s15] =	ssyncadd.s32 $0xFFFFFFFF  }
0x96: {  	s17 =	sld [smem:$0x12];
	(tm) =	ssettm $0x1  }
0x97: {  	s18 =	sld [smem:$0x3FFB];
	_ =	sdelay $0x3  }
0x98: {  	_ =	strace s18  }
0x99: {  	s4 =	sld [smem:$0x3FFC];
	_ =	sdelay $0x3  }
0x9a: {  	_ =	strace s4  }
0x9b: {  	s4 =	sld [smem:$0x3FFD];
	_ =	sdelay $0x3  }
0x9c: {  	_ =	strace s4  }
0x9d: {  	_ =	strace $0x8FFFFFFF  }
0x9e: {  	s19 =	sld [smem:$0x3FDB];
	_ =	sdelay $0x1  }
0x9f: {  	s5 =	simm.s32 $_scs_section_size  }
0xa0: {  	s6 =	simm.s32 $_size__tile_overlayer_lowered;
	s7 =	simm.s32 $_tile_overlayer_lowered  }
0xa1: {  	s22 =	simm.s32 $0x1BFF;
	s21 =	sshll.u32 s7, $0x1;
	s4 =	sadd.s32 s5, s19  }
0xa2: {  	s8 =	simm.s32 $0x0;
	s20 =	sshll.u32 s6, $0x1;
	s6 =	sadd.s32 s21, s4  }
0xa3: {  	[timem:s8], [sflag:s22] =	dma.local [hbm:s6], s20  }
0xa4: {  	_ =	swait.ge [sflag:s22], s20  }
0xa5: {  	s5 =	ssub.s32 $0x0, s20;
	[sflag:s22] =	ssyncset.done $0x0  }
0xa6: {  	[sflag:s22] =	ssyncadd.s32 s5;
	_ =	sdelay $0x1  }
0xa7: {  	s23 =	simm.s32 $0x1B8B  }
0xa8: {  	_ =	swait.ge [sflag:s23], $0x1  }
0xa9: {  	[sflag:s23] =	ssyncset.done $0x0  }
0xaa: {  	s25 =	simm.s32 $0x1B8E;
	s24 =	sld [smem:$0x3FFE];
	[sflag:s23] =	ssyncadd.s32 $0xFFFFFFFF  }
0xab: {  	s26 =	simm.s32 $execute0_lowered;
	[smem:$0x3FD2] =	sst s25  }
0xac: {  	s6 =	sshll.u32 s26, $0x1;
	_ =	strace $0x8000004C;
	[dreg:$0x1] =	wrdreg $0xFFFFFFFF  }
0xad: {  	s28 =	simm.s32 $_size_execute0_lowered;
	s4 =	sadd.s32 s4, s6;
	[dreg:$0x0] =	wrdreg $0x0  }
0xae: {  	s6 =	sshll.u32 s28, $0x1;
	[dreg:$0x2] =	wrdreg s4  }
0xaf: {  	[dreg:$0x3] =	wrdreg s6  }
0xb0: {  	[dreg:$0x4] =	wrdreg $0xC0  }
0xb1: {  	_ =	task [dreg:s8], $0x5FFFF  }
0xb2: {  	[dreg:$0x1] =	wrdreg $0xFFFFFFFF  }
0xb3: {  	[dreg:$0x0] =	wrdreg $0x60  }
0xb4: {  	[dreg:$0x2] =	wrdreg s24  }
0xb5: {  	[dreg:$0x3] =	wrdreg s17  }
0xb6: {  	[dreg:$0x4] =	wrdreg s16  }
0xb7: {  	[dreg:$0x5] =	wrdreg $0x0  }
0xb8: {  	[dreg:$0x6] =	wrdreg $0x9  }
0xb9: {  	_ =	task.clear_ibuf [dreg:s8], $0x7FFFF;
	_ =	strace $0x9000004C  }
0xba: {  	s29 =	simm.s32 $0x9;
	_ =	strace $0x8000004E  }
0xbb: {  	_ =	swait.ge [sflag:s29], $0x1  }
0xbc: {  	[sflag:s29] =	ssyncadd.s32 $0xFFFFFFFF  }
0xbd: {  	_ =	strace $0x9000004E  }
0xbe: {  	_ =	sfence  }
0xbf: {  	s30 =	sld [smem:$0x0];
	_ =	sdelay $0x2  }
0xc0: {  	s31 =	sshll.u32 s1, $0xD;
	s1 =	sshrl.u32 s1, $0x2  }
0xc1: {  	s3 =	sand.u32 $0x4000, s31;
	s1 =	sadd.s32 s1, s30  }
0xc2: {  	s0 =	sor.u32 s3, s0;
	s1 =	sshll.u32 s1, $0x11  }
0xc3: {  	s0 =	sor.u32 s1, s0  }
0xc4: {  	s0 =	sadd.s32 $0x8F2B, s0  }
0xc5: {  	[sflag:s0] =	ssyncadd.remote.s32 $0x1  }
0xc6: {  	_ =	sfence.sel $0xFFFF  }
0xc7: {  	[dreg:$0x0] =	wrdreg $0xFFFFFFFF;
	(pc) =	sbr.abs _section_cstart, $3  }
0xc8: {  	[dreg:$0x1] =	wrdreg $0xFFFFFFFF  }
0xc9: {  	_ =	task.clear_ibuf [dreg:s8], $0x2FFFF;
	_ =	strace $0x9FFFFFFF  }
0xca: {  	(tm) =	ssettm $0x7FFFFFFF  }
0xcb: {  	_ =	shalt  }
tec
execute0_lowered:
.L_overlay_start_1:
0x0: {  	(tag) =	ssettag $0x1  }
0x1: {  	s5 =	rddreg [dreg:$0x0]  }
0x2: {  	s7 =	rddreg [dreg:$0x1]  }
0x3: {  	s8 =	rddreg [dreg:$0x2]  }
0x4: {  	s1 =	rddreg [dreg:$0x3]  }
0x5: {  	s0 =	rddreg [dreg:$0x4];
	s2 =	simm.s32 $0x0  }
0x6: {  	s3 =	srdreg.scid;
	s15 =	simm.s32 $0x16800;
	s16 =	simm.s32 $0x1  }
0x7: {  	s17 =	simm.s32 $0x14080;
	s18 =	simm.s32 $0x1A800;
	s6 =	sand.u32 $0x1, s3  }
0x8: {  	s19 =	simm.s32 $0x2;
	s3 =	stileid.u32;
	s9 =	smul.u32 $0x28000, s6  }
0x9: {  	s20 =	simm.s32 $0x15480;
	s21 =	simm.s32 $0x3;
	s10 =	smul.u32 $0x50000, s3  }
0xa: {  	s22 =	simm.s32 $0x14100;
	[smem:$0x7FF] =	sst s2;
	s23 =	smul.u32 $0x2800, s3  }
0xb: {  	s4 =	sadd.s32 $0x3000, s5;
	_ =	strace $0x8000004D;
	s12 =	smul.u32 $0x5000, s6  }
0xc: {  	s30 =	ssub.s32 $0x2, s6;
	s31 =	sshll.u32 s3, $0x6;
	s14 =	smul.u32 $0x500, s3  }
0xd: {  	s11 =	sshrl.u32 s30, $0x1;
	s6 =	sor.u32 $0x1C04, s31;
	s9 =	sadd.s32 s9, s5  }
0xe: {  	s10 =	sshrl.u32 s10, $0x2;
	s11 =	ssub.s32 s30, s11;
	s5 =	sadd.s32 s4, s23  }
.Ltmp0:
0xf: {  	s13 =	sadd.s32 s7, s12;
	s12 =	sadd.s32 s8, s12;
	(pc) =	sbr.rel .LBB2_1-.Ltmp0, $4  }
0x10: {  	s10 =	sadd.s32 s10, s1;
	s24 =	sadd.s32 $0x53000, s9;
	s7 =	smax.u32 s11, $0x1  }
0x11: {  	s9 =	simm.s32 $0x4;
	s11 =	simm.s32 $0x14000;
	s12 =	sadd.s32 s14, s12  }
0x12: {  	s8 =	sshrl.u32 s10, $0x3;
	s10 =	sadd.s32 s14, s13;
	s13 =	simm.s32 $0x15400  }
0x13: {  	s14 =	simm.s32 $0x80;
	s23 =	sadd.s32 s23, s24;
	s24 =	simm.s32 $0x0  }
.LBB2_7:
0x14: {  	_ =	swait.ge [sflag:s21], $0x4000  }
0x15: {  	s24 =	sadd.s32 $0x1, s24;
	[sflag:s21] =	ssyncset.done $0x0  }
0x16: {  	p0 =	sne.s32 s24, s7;
	[sflag:s21] =	ssyncadd.s32 $0xFFFFC000  }
.Ltmp1:
0x17: {  	[bflag:$0x0] =	sbarrier.arrive $0xFFFF;
	(pc) =	sbr.rel @!p0 .LBB2_8-.Ltmp1, $4  }
0x18: {  	[hbm:s23], [sflag:s6] =	dma.local [spmem:s8], $0x2800  }
0x19: {  	_ =	swait.ge [sflag:s9], $0x2800  }
0x1a: {  	[sflag:s9] =	ssyncset.done $0x0  }
0x1b: {  	[sflag:s9] =	ssyncadd.s32 $0xFFFFD800  }
.LBB2_1:
0x1c: {  	[spmem:s8], [sflag:s6] =	dma.local [hbm:s5], $0x2800  }
0x1d: {  	_ =	swait.ge [sflag:s9], $0x2800  }
0x1e: {  	[sflag:s9] =	ssyncset.done $0x0  }
0x1f: {  	[sflag:s9] =	ssyncadd.s32 $0xFFFFD800  }
0x20: {  	[bflag:$0x0] =	sbarrier.arrive $0xFFFF  }
0x21: {  	[tilespmem:s11], [sflag:$0x4] =	stream.linear.gather [hbm4b:s10+s2], $0x1400, $0x38;
	[tilespmem:$0x1E800] =	vst v63  }
0x22: {  	_ =	swait.ge [sflag:s9], $0x1400  }
0x23: {  	[sflag:s9] =	ssyncset.done $0x0  }
0x24: {  	[sflag:s9] =	ssyncadd.s32 $0xFFFFEC00  }
0x25: {  	[tilespmem:s13], [sflag:$0x4] =	stream.linear.gather [hbm4b:s12+s2], $0x1400, $0x38;
	[tilespmem:$0x1E800] =	vst v63  }
0x26: {  	_ =	swait.ge [sflag:s9], $0x1400  }
0x27: {  	[sflag:s9] =	ssyncset.done $0x0  }
0x28: {  	[sflag:s9] =	ssyncadd.s32 $0xFFFFEC00  }
0x29: {  	[tilespmem:s15], [sflag:$0x1] =	stream.indirect.gather [hbm4b:s4+s14], $0x80, s11, s14, $0xb8;
	[tilespmem:$0x1E800] =	vst v63  }
0x2a: {  	_ =	swait.ge [sflag:s16], $0x4000  }
0x2b: {  	[sflag:s16] =	ssyncset.done $0x0  }
0x2c: {  	[sflag:s16] =	ssyncadd.s32 $0xFFFFC000  }
0x2d: {  	[spmem:s1] =	stream.indirect.scatter.add.f32 [tilespmem:s15], [sflag:$0x3], $0x80, s13, s14, $0xb8;
	[tilespmem:$0x1E800] =	vst v63  }
0x2e: {  	_ = 	snop  }
0x2f: {  	[tilespmem:s18], [sflag:$0x2] =	stream.indirect.gather [hbm4b:s4+s14], $0x80, s17, s14, $0xb8;
	[tilespmem:$0x1E800] =	vst v63  }
0x30: {  	_ =	swait.ge [sflag:s19], $0x4000  }
0x31: {  	[sflag:s19] =	ssyncset.done $0x0  }
0x32: {  	[sflag:s19] =	ssyncadd.s32 $0xFFFFC000  }
0x33: {  	[spmem:s1] =	stream.indirect.scatter.add.f32 [tilespmem:s18], [sflag:$0x3], $0x80, s20, s14, $0xb8;
	[tilespmem:$0x1E800] =	vst v63  }
0x34: {  	_ =	swait.ge [sflag:s21], $0x4000  }
0x35: {  	[sflag:s21] =	ssyncset.done $0x0  }
0x36: {  	s25 =	simm.s32 $0xFFFFB800;
	[sflag:s21] =	ssyncadd.s32 $0xFFFFC000  }
0x37: {  	[tilespmem:s15], [sflag:$0x1] =	stream.indirect.gather [hbm4b:s4+s14], $0x80, s22, s14, $0xb8;
	[tilespmem:$0x1E800] =	vst v63  }
.LBB2_2:
0x38: {  	_ =	swait.ge [sflag:s16], $0x4000  }
0x39: {  	s26 =	sshra.s32 s25, $0x2;
	[sflag:s16] =	ssyncset.done $0x0  }
0x3a: {  	s28 =	sadd.s32 $0x16700, s26;
	[sflag:s16] =	ssyncadd.s32 $0xFFFFC000  }
0x3b: {  	[spmem:s1] =	stream.indirect.scatter.add.f32 [tilespmem:s15], [sflag:$0x3], $0x80, s28, s14, $0xb8;
	[tilespmem:$0x1E800] =	vst v63  }
0x3c: {  	_ =	swait.ge [sflag:s21], $0x4000  }
0x3d: {  	[sflag:s21] =	ssyncset.done $0x0  }
0x3e: {  	s30 =	sadd.s32 $0x15380, s26;
	[sflag:s21] =	ssyncadd.s32 $0xFFFFC000  }
0x3f: {  	[tilespmem:s18], [sflag:$0x2] =	stream.indirect.gather [hbm4b:s4+s14], $0x80, s30, s14, $0xb8;
	[tilespmem:$0x1E800] =	vst v63  }
0x40: {  	_ =	swait.ge [sflag:s19], $0x4000  }
0x41: {  	p0 =	seq.s32 s25, $0x0;
	[sflag:s19] =	ssyncset.done $0x0  }
.Ltmp2:
0x42: {  	s31 =	sadd.s32 $0x16780, s26;
	[sflag:s19] =	ssyncadd.s32 $0xFFFFC000;
	(pc) =	sbr.rel @p0 .LBB2_4-.Ltmp2, $4  }
0x43: {  	[spmem:s1] =	stream.indirect.scatter.add.f32 [tilespmem:s18], [sflag:$0x3], $0x80, s31, s14, $0xb8;
	[tilespmem:$0x1E800] =	vst v63  }
0x44: {  	_ =	swait.ge [sflag:s21], $0x4000  }
0x45: {  	[sflag:s21] =	ssyncset.done $0x0  }
0x46: {  	[sflag:s21] =	ssyncadd.s32 $0xFFFFC000  }
.Ltmp3:
0x47: {  	(pc) =	sbr.rel .LBB2_2-.Ltmp3, $3  }
0x48: {  	_ =	sdelay $0x1  }
0x49: {  	s26 =	sadd.s32 $0x15400, s26;
	s25 =	sadd.s32 $0x400, s25  }
0x4a: {  	[tilespmem:s15], [sflag:$0x1] =	stream.indirect.gather [hbm4b:s4+s14], $0x80, s26, s14, $0xb8;
	[tilespmem:$0x1E800] =	vst v63  }
.LBB2_4:
0x4b: {  	_ =	swait.ge [sflag:s21], $0x4000  }
0x4c: {  	[sflag:s21] =	ssyncset.done $0x0  }
0x4d: {  	s25 =	sadd.s32 $0x280, s10;
	[sflag:s21] =	ssyncadd.s32 $0xFFFFC000  }
0x4e: {  	[tilespmem:s11], [sflag:$0x4] =	stream.linear.gather [hbm4b:s25+s2], $0x1400, $0x38;
	[tilespmem:$0x1E800] =	vst v63  }
0x4f: {  	_ =	swait.ge [sflag:s9], $0x1400  }
0x50: {  	[sflag:s9] =	ssyncset.done $0x0  }
0x51: {  	s31 =	sadd.s32 $0x280, s12;
	[sflag:s9] =	ssyncadd.s32 $0xFFFFEC00  }
0x52: {  	[tilespmem:s13], [sflag:$0x4] =	stream.linear.gather [hbm4b:s31+s2], $0x1400, $0x38;
	[tilespmem:$0x1E800] =	vst v63  }
0x53: {  	_ =	swait.ge [sflag:s9], $0x1400  }
0x54: {  	[sflag:s9] =	ssyncset.done $0x0  }
0x55: {  	[sflag:s9] =	ssyncadd.s32 $0xFFFFEC00  }
0x56: {  	[tilespmem:s15], [sflag:$0x1] =	stream.indirect.gather [hbm4b:s4+s14], $0x80, s11, s14, $0xb8;
	[tilespmem:$0x1E800] =	vst v63  }
0x57: {  	_ =	swait.ge [sflag:s16], $0x4000  }
0x58: {  	[sflag:s16] =	ssyncset.done $0x0  }
0x59: {  	[sflag:s16] =	ssyncadd.s32 $0xFFFFC000  }
0x5a: {  	[spmem:s1] =	stream.indirect.scatter.add.f32 [tilespmem:s15], [sflag:$0x3], $0x80, s13, s14, $0xb8;
	[tilespmem:$0x1E800] =	vst v63  }
0x5b: {  	_ = 	snop  }
0x5c: {  	[tilespmem:s18], [sflag:$0x2] =	stream.indirect.gather [hbm4b:s4+s14], $0x80, s17, s14, $0xb8;
	[tilespmem:$0x1E800] =	vst v63  }
0x5d: {  	_ =	swait.ge [sflag:s19], $0x4000  }
0x5e: {  	[sflag:s19] =	ssyncset.done $0x0  }
0x5f: {  	[sflag:s19] =	ssyncadd.s32 $0xFFFFC000  }
0x60: {  	[spmem:s1] =	stream.indirect.scatter.add.f32 [tilespmem:s18], [sflag:$0x3], $0x80, s20, s14, $0xb8;
	[tilespmem:$0x1E800] =	vst v63  }
0x61: {  	_ =	swait.ge [sflag:s21], $0x4000  }
0x62: {  	[sflag:s21] =	ssyncset.done $0x0  }
0x63: {  	s25 =	simm.s32 $0xFFFFB800;
	[sflag:s21] =	ssyncadd.s32 $0xFFFFC000  }
0x64: {  	[tilespmem:s15], [sflag:$0x1] =	stream.indirect.gather [hbm4b:s4+s14], $0x80, s22, s14, $0xb8;
	[tilespmem:$0x1E800] =	vst v63  }
.LBB2_5:
0x65: {  	_ =	swait.ge [sflag:s16], $0x4000  }
0x66: {  	s26 =	sshra.s32 s25, $0x2;
	[sflag:s16] =	ssyncset.done $0x0  }
0x67: {  	s28 =	sadd.s32 $0x16700, s26;
	[sflag:s16] =	ssyncadd.s32 $0xFFFFC000  }
0x68: {  	[spmem:s1] =	stream.indirect.scatter.add.f32 [tilespmem:s15], [sflag:$0x3], $0x80, s28, s14, $0xb8;
	[tilespmem:$0x1E800] =	vst v63  }
0x69: {  	_ =	swait.ge [sflag:s21], $0x4000  }
0x6a: {  	[sflag:s21] =	ssyncset.done $0x0  }
0x6b: {  	s30 =	sadd.s32 $0x15380, s26;
	[sflag:s21] =	ssyncadd.s32 $0xFFFFC000  }
0x6c: {  	[tilespmem:s18], [sflag:$0x2] =	stream.indirect.gather [hbm4b:s4+s14], $0x80, s30, s14, $0xb8;
	[tilespmem:$0x1E800] =	vst v63  }
0x6d: {  	_ =	swait.ge [sflag:s19], $0x4000  }
0x6e: {  	p0 =	seq.s32 s25, $0x0;
	[sflag:s19] =	ssyncset.done $0x0  }
.Ltmp4:
0x6f: {  	s31 =	sadd.s32 $0x16780, s26;
	[sflag:s19] =	ssyncadd.s32 $0xFFFFC000;
	(pc) =	sbr.rel @p0 .LBB2_7-.Ltmp4, $4  }
0x70: {  	[spmem:s1] =	stream.indirect.scatter.add.f32 [tilespmem:s18], [sflag:$0x3], $0x80, s31, s14, $0xb8;
	[tilespmem:$0x1E800] =	vst v63  }
0x71: {  	_ =	swait.ge [sflag:s21], $0x4000  }
0x72: {  	[sflag:s21] =	ssyncset.done $0x0  }
0x73: {  	[sflag:s21] =	ssyncadd.s32 $0xFFFFC000  }
.Ltmp5:
0x74: {  	(pc) =	sbr.rel .LBB2_5-.Ltmp5, $3  }
0x75: {  	_ =	sdelay $0x1  }
0x76: {  	s26 =	sadd.s32 $0x15400, s26;
	s25 =	sadd.s32 $0x400, s25  }
0x77: {  	[tilespmem:s15], [sflag:$0x1] =	stream.indirect.gather [hbm4b:s4+s14], $0x80, s26, s14, $0xb8;
	[tilespmem:$0x1E800] =	vst v63  }
.LBB2_8:
0x78: {  	_ =	sfence.sel $0x180000  }
0x79: {  	[bflag:$0x0] =	sbarrier.arrive $0xFFFF  }
0x7a: {  	p0 =	sne.s32 s3, $0x0;
	_ =	strace $0x9000004D  }
0x7b: {  	s0 =	sadd.s32 @!p0 $0x100000, s0;
	[bflag:$0x2] =	sbarrier.arrive $0xFFFF  }
0x7c: {  	[sflag:s0] =	ssyncadd.tile.s32 @!p0 $0x1;
	_ =	shalt  }
.Lfunc_end2:
_tile_overlayer_lowered:
.L_overlay_start_2:
0x7d: {  	(tag) =	ssettag $0x2  }
0x7e: {  	s0 =	rddreg [dreg:$0x0];
	s2 =	stileid.u32  }
0x7f: {  	s1 =	rddreg [dreg:$0x1];
	p0 =	sne.s32 s2, $0x0  }
0x80: {  	s3 =	rddreg [dreg:$0x2];
	[bflag:$0x3] =	sbarrier.arrive $0xFFFF;
	s2 =	simm.s32 @!p0 $0x1C04  }
0x81: {  	[timem:s3], [sflag:s2] =	dma.local @!p0 [hbm:s0], s1  }
0x82: {  	s0 =	simm.s32 @!p0 $0x4  }
0x83: {  	_ =	swait.ge @!p0 [sflag:s0], s1  }
0x84: {  	s1 =	ssub.s32 @!p0 $0x0, s1;
	[sflag:s0] =	ssyncset.done @!p0 $0x0  }
0x85: {  	[sflag:s0] =	ssyncadd.s32 @!p0 s1  }
0x86: {  	[bflag:$0x3] =	sbarrier.arrive $0xFFFF  }
0x87: {  	_ =	shalt  }

// kernel: kernel.8.cloned.1.call-start
scs
__scs_entry_jumppad:
0x0: {  	(pc) =	sbr.rel $0x88, $3  }
0x1: {  	(tag) =	ssettag $0x0;
	lr =	simm.s32 $0x1  }
0x2: {  	[smem:$0x3F99] =	sst lr;
	_ =	strace $0xD0000000  }
0x3: {  	_ = 	snop  }
0x4: {  	_ = 	snop  }
0x5: {  	_ = 	snop  }
0x6: {  	_ = 	snop  }
0x7: {  	_ = 	snop  }
__scs_overlays_trampoline_lowered:
0x8: {  	[smem:$0x3FA8] =	sst s0  }
0x9: {  	[smem:$0x3FA9] =	sst s1  }
0xa: {  	[smem:$0x3FAA] =	sst s2  }
0xb: {  	[smem:$0x3FAB] =	sst s3  }
0xc: {  	[smem:$0x3FAC] =	sst s4  }
0xd: {  	[smem:$0x3FAD] =	sst s5  }
0xe: {  	[smem:$0x3FAE] =	sst s6  }
0xf: {  	[smem:$0x3FAF] =	sst s7  }
0x10: {  	[smem:$0x3FB0] =	sst s8  }
0x11: {  	[smem:$0x3FB1] =	sst s9;
	s0 =	simm.s32 @!p0 $0x0  }
0x12: {  	s1 =	sld [smem:$0x3F97];
	s0 =	simm.s32 @p0 $0x1  }
0x13: {  	[smem:$0x3FB2] =	sst s0;
	s0 =	simm.s32 @!p1 $0x0  }
0x14: {  	s2 =	sld [smem:$0x3F96];
	s0 =	simm.s32 @p1 $0x1  }
0x15: {  	[smem:$0x3FB3] =	sst s0;
	s0 =	simm.s32 @!p2 $0x0  }
0x16: {  	s3 =	sld [smem:$0x3FDB];
	s0 =	simm.s32 @p2 $0x1  }
0x17: {  	s4 =	simm.s32 $0x1BF5;
	[smem:$0x3FB5] =	sst s0  }
0x18: {  	s0 =	sld [smem:$0x3F98];
	_ =	swait.ge [sflag:s4], $0x0  }
0x19: {  	s7 =	sld [smem:$0x3F99]  }
0x1a: {  	s8 =	sadd.s32 $0xFFFFE003, lr  }
0x1b: {  	s9 =	sadd.s32 $0xFFFFFEF7, lr;
	s5 =	simm.s32 $0xFFFFFFFF;
	p2 =	slt.u32 s8, $0xFFFFF086  }
0x1c: {  	p1 =	slt.u32 s9, $0xF7A;
	s5 =	simm.s32 @!p2 $0x0  }
0x1d: {  	s5 =	simm.s32 @p1 $0x1;
	p0 =	seq.s32 s7, s2  }
0x1e: {  	s7 =	smul.u32 @!p0 $0xF7A, s2;
	p2 =	seq.s32 @!p0 s5, $0x0  }
0x1f: {  	s9 =	smul.u32 $0xF7A, s1;
	s8 =	simm.s32 @!p0 $0x1BF5;
	p2 =	por !p2, p0  }
0x20: {  	[sflag:s8] =	ssyncset.s32 @!p0 $0xFFFFF086;
	s6 =	sadd.s32 @!p0 s3, s7;
	s7 =	simm.s32 @!p0 $0x108  }
0x21: {  	s3 =	sadd.s32 s3, s9;
	s6 =	sadd.s32 @!p0 $0x88, s6;
	s7 =	simm.s32 @p2 $0x1082  }
0x22: {  	[simem:s7], [sflag:s8] =	dma.local @!p0 [hbm:s6], $0xF7A  }
0x23: {  	s9 =	sor.u32 $0xD0000000, s2;
	s6 =	simm.s32 $0x108;
	_ =	swait.ge @!p0 [sflag:s8], $0x0  }
0x24: {  	s3 =	sadd.s32 $0x88, s3;
	s6 =	simm.s32 @!p1 $0x1082;
	[sflag:s4] =	ssyncset.s32 $0xFFFFF086  }
0x25: {  	[simem:s6], [sflag:s4] =	dma.local [hbm:s3], $0xF7A  }
0x26: {  	[smem:$0x3F99] =	sst s1;
	(tag) =	ssettag s2;
	_ =	strace s9  }
0x27: {  	s1 =	sld [smem:$0x3FA9]  }
0x28: {  	s2 =	sld [smem:$0x3FAA]  }
0x29: {  	s4 =	sld [smem:$0x3FAC]  }
0x2a: {  	p0 =	seq.s32 s5, $0x0;
	s5 =	sld [smem:$0x3FAD]  }
0x2b: {  	s6 =	sld [smem:$0x3FAE]  }
0x2c: {  	s7 =	sld [smem:$0x3FAF]  }
0x2d: {  	s3 =	simm.s32 $0x108;
	s8 =	sld [smem:$0x3FB0]  }
0x2e: {  	s3 =	simm.s32 @!p0 $0x1082;
	s9 =	sld [smem:$0x3FB1]  }
0x2f: {  	lr =	sadd.s32 s0, s3;
	s0 =	sld [smem:$0x3FA8]  }
0x30: {  	s3 =	sld [smem:$0x3FAB]  }
0x31: {  	[smem:$0x3FB4] =	sst s10  }
0x32: {  	s10 =	sld [smem:$0x3FB2];
	_ =	sdelay $0x3  }
0x33: {  	p0 =	seq.s32 s10, $0x1;
	s10 =	sld [smem:$0x3FB4];
	_ =	sdelay $0x3  }
0x34: {  	[smem:$0x3FB4] =	sst s10  }
0x35: {  	s10 =	sld [smem:$0x3FB3];
	_ =	sdelay $0x3  }
0x36: {  	p1 =	seq.s32 s10, $0x1;
	s10 =	sld [smem:$0x3FB4];
	_ =	sdelay $0x3  }
0x37: {  	[smem:$0x3FB4] =	sst s10  }
0x38: {  	s10 =	sld [smem:$0x3FB5]  }
0x39: {  	_ = 	snop;
	(pc) =	sbr.ind lr, $3  }
0x3a: {  	_ = 	snop  }
0x3b: {  	_ = 	snop  }
0x3c: {  	p2 =	seq.s32 s10, $0x1;
	s10 =	sld [smem:$0x3FB4]  }
0x3d: {  	_ =	shalt  }
0x3e: {  	_ =	shalt  }
0x3f: {  	_ =	shalt  }
0x40: {  	_ =	shalt  }
0x41: {  	_ =	shalt  }
0x42: {  	_ =	shalt  }
0x43: {  	_ =	shalt  }
0x44: {  	_ =	shalt  }
0x45: {  	_ =	shalt  }
0x46: {  	_ =	shalt  }
0x47: {  	_ =	shalt  }
0x48: {  	_ =	shalt  }
0x49: {  	_ =	shalt  }
0x4a: {  	_ =	shalt  }
0x4b: {  	_ =	shalt  }
0x4c: {  	_ =	shalt  }
0x4d: {  	_ =	shalt  }
0x4e: {  	_ =	shalt  }
0x4f: {  	_ =	shalt  }
0x50: {  	_ =	shalt  }
0x51: {  	_ =	shalt  }
0x52: {  	_ =	shalt  }
0x53: {  	_ =	shalt  }
0x54: {  	_ =	shalt  }
0x55: {  	_ =	shalt  }
0x56: {  	_ =	shalt  }
0x57: {  	_ =	shalt  }
0x58: {  	_ =	shalt  }
0x59: {  	_ =	shalt  }
0x5a: {  	_ =	shalt  }
0x5b: {  	_ =	shalt  }
0x5c: {  	_ =	shalt  }
0x5d: {  	_ =	shalt  }
0x5e: {  	_ =	shalt  }
0x5f: {  	_ =	shalt  }
0x60: {  	_ =	shalt  }
0x61: {  	_ =	shalt  }
0x62: {  	_ =	shalt  }
0x63: {  	_ =	shalt  }
0x64: {  	_ =	shalt  }
0x65: {  	_ =	shalt  }
0x66: {  	_ =	shalt  }
0x67: {  	_ =	shalt  }
0x68: {  	_ =	shalt  }
0x69: {  	_ =	shalt  }
0x6a: {  	_ =	shalt  }
0x6b: {  	_ =	shalt  }
0x6c: {  	_ =	shalt  }
0x6d: {  	_ =	shalt  }
0x6e: {  	_ =	shalt  }
0x6f: {  	_ =	shalt  }
0x70: {  	_ =	shalt  }
0x71: {  	_ =	shalt  }
0x72: {  	_ =	shalt  }
0x73: {  	_ =	shalt  }
0x74: {  	_ =	shalt  }
0x75: {  	_ =	shalt  }
0x76: {  	_ =	shalt  }
0x77: {  	_ =	shalt  }
0x78: {  	_ =	shalt  }
0x79: {  	_ =	shalt  }
0x7a: {  	_ =	shalt  }
0x7b: {  	_ =	shalt  }
0x7c: {  	_ =	shalt  }
0x7d: {  	_ =	shalt  }
0x7e: {  	_ =	shalt  }
0x7f: {  	_ =	shalt  }
0x80: {  	_ =	shalt  }
0x81: {  	_ =	shalt  }
0x82: {  	_ =	shalt  }
0x83: {  	_ =	shalt  }
0x84: {  	_ =	shalt  }
0x85: {  	_ =	shalt  }
0x86: {  	_ =	shalt  }
0x87: {  	_ =	shalt  }
.Lfunc_end0:
.L_simem_size_0:
called_computation_lowered:
.L_overlay_start_0:
0x88: {  	s2 =	sld [smem:$0x3FD9]  }
0x89: {  	s3 =	sld [smem:$0x3FFE];
	_ =	sdelay $0x1  }
0x8a: {  	s1 =	srdreg.scid  }
0x8b: {  	s0 =	sand.u32 $0x1, s1  }
0x8c: {  	s14 =	sshll.u32 s0, $0xA;
	s2 =	sadd.s32 s3, s2  }
0x8d: {  	s2 =	sadd.s32 s2, s14  }
0x8e: {  	[smem:$0x3FC0] =	sst s2  }
0x8f: {  	_ = 	snop  }
0x90: {  	s2 =	sld [smem:$0x3FD0];
	_ =	sdelay $0x2  }
0x91: {  	s15 =	simm.s32 $0xA;
	s4 =	simm.s32 $0x10  }
0x92: {  	[smem:s4], [sflag:s15] =	dma.local [hbm:s2], $0x1  }
0x93: {  	_ =	swait.eq [sflag:s15], $0x1  }
0x94: {  	[sflag:s15] =	ssyncset.done $0x0  }
0x95: {  	s16 =	sld [smem:$0x10];
	[sflag:s15] =	ssyncadd.s32 $0xFFFFFFFF  }
0x96: {  	s17 =	sld [smem:$0x11];
	(tm) =	ssettm $0x1  }
0x97: {  	s18 =	sld [smem:$0x3FFB];
	_ =	sdelay $0x3  }
0x98: {  	_ =	strace s18  }
0x99: {  	s4 =	sld [smem:$0x3FFC];
	_ =	sdelay $0x3  }
0x9a: {  	_ =	strace s4  }
0x9b: {  	s4 =	sld [smem:$0x3FFD];
	_ =	sdelay $0x3  }
0x9c: {  	_ =	strace s4  }
0x9d: {  	_ =	strace $0x8FFFFFFF  }
0x9e: {  	s19 =	sld [smem:$0x3FDB];
	_ =	sdelay $0x1  }
0x9f: {  	s5 =	simm.s32 $_scs_section_size  }
0xa0: {  	s6 =	simm.s32 $_size__tile_overlayer_lowered;
	s7 =	simm.s32 $_tile_overlayer_lowered  }
0xa1: {  	s22 =	simm.s32 $0x1BFF;
	s21 =	sshll.u32 s7, $0x1;
	s4 =	sadd.s32 s5, s19  }
0xa2: {  	s8 =	simm.s32 $0x0;
	s20 =	sshll.u32 s6, $0x1;
	s6 =	sadd.s32 s21, s4  }
0xa3: {  	[timem:s8], [sflag:s22] =	dma.local [hbm:s6], s20  }
0xa4: {  	_ =	swait.ge [sflag:s22], s20  }
0xa5: {  	s5 =	ssub.s32 $0x0, s20;
	[sflag:s22] =	ssyncset.done $0x0  }
0xa6: {  	[sflag:s22] =	ssyncadd.s32 s5;
	_ =	sdelay $0x1  }
0xa7: {  	s23 =	simm.s32 $0x1B8B  }
0xa8: {  	_ =	swait.ge [sflag:s23], $0x1  }
0xa9: {  	[sflag:s23] =	ssyncset.done $0x0  }
0xaa: {  	s25 =	simm.s32 $0x1B8E;
	s24 =	sld [smem:$0x3FFE];
	[sflag:s23] =	ssyncadd.s32 $0xFFFFFFFF  }
0xab: {  	s26 =	simm.s32 $execute0_lowered;
	[smem:$0x3FD2] =	sst s25  }
0xac: {  	s6 =	sshll.u32 s26, $0x1;
	_ =	strace $0x80000046;
	[dreg:$0x1] =	wrdreg $0xFFFFFFFF  }
0xad: {  	s28 =	simm.s32 $_size_execute0_lowered;
	s4 =	sadd.s32 s4, s6;
	[dreg:$0x0] =	wrdreg $0x0  }
0xae: {  	s6 =	sshll.u32 s28, $0x1;
	[dreg:$0x2] =	wrdreg s4  }
0xaf: {  	[dreg:$0x3] =	wrdreg s6  }
0xb0: {  	[dreg:$0x4] =	wrdreg $0xC0  }
0xb1: {  	_ =	task [dreg:s8], $0x5FFFF  }
0xb2: {  	[dreg:$0x1] =	wrdreg $0xFFFFFFFF  }
0xb3: {  	[dreg:$0x0] =	wrdreg $0x60  }
0xb4: {  	[dreg:$0x2] =	wrdreg s17  }
0xb5: {  	[dreg:$0x3] =	wrdreg s16  }
0xb6: {  	[dreg:$0x4] =	wrdreg s24  }
0xb7: {  	[dreg:$0x5] =	wrdreg $0x0  }
0xb8: {  	[dreg:$0x6] =	wrdreg $0x9  }
0xb9: {  	_ =	task.clear_ibuf [dreg:s8], $0x7FFFF;
	_ =	strace $0x90000046  }
0xba: {  	s29 =	simm.s32 $0x9;
	_ =	strace $0x80000048  }
0xbb: {  	_ =	swait.ge [sflag:s29], $0x1  }
0xbc: {  	[sflag:s29] =	ssyncadd.s32 $0xFFFFFFFF  }
0xbd: {  	_ =	strace $0x90000048  }
0xbe: {  	_ =	sfence  }
0xbf: {  	s30 =	sld [smem:$0x0];
	_ =	sdelay $0x2  }
0xc0: {  	s31 =	sshll.u32 s1, $0xD;
	s1 =	sshrl.u32 s1, $0x2  }
0xc1: {  	s3 =	sand.u32 $0x4000, s31;
	s1 =	sadd.s32 s1, s30  }
0xc2: {  	s0 =	sor.u32 s3, s0;
	s1 =	sshll.u32 s1, $0x11  }
0xc3: {  	s0 =	sor.u32 s1, s0  }
0xc4: {  	s0 =	sadd.s32 $0x8F2B, s0  }
0xc5: {  	[sflag:s0] =	ssyncadd.remote.s32 $0x1  }
0xc6: {  	_ =	sfence.sel $0xFFFF  }
0xc7: {  	[dreg:$0x0] =	wrdreg $0xFFFFFFFF;
	(pc) =	sbr.abs _section_cstart, $3  }
0xc8: {  	[dreg:$0x1] =	wrdreg $0xFFFFFFFF  }
0xc9: {  	_ =	task.clear_ibuf [dreg:s8], $0x2FFFF;
	_ =	strace $0x9FFFFFFF  }
0xca: {  	(tm) =	ssettm $0x7FFFFFFF  }
0xcb: {  	_ =	shalt  }
tec
execute0_lowered:
.L_overlay_start_1:
0x0: {  	(tag) =	ssettag $0x1  }
0x1: {  	s6 =	rddreg [dreg:$0x0]  }
0x2: {  	s2 =	rddreg [dreg:$0x1]  }
0x3: {  	s5 =	rddreg [dreg:$0x2]  }
0x4: {  	s3 =	rddreg [dreg:$0x3]  }
0x5: {  	s0 =	rddreg [dreg:$0x4];
	s1 =	stileid.u32  }
0x6: {  	s7 =	srdreg.scid;
	s15 =	smul.u32 $0x2800, s1  }
0x7: {  	s4 =	simm.s32 $0x0;
	s7 =	sand.u32 $0x1, s7;
	s9 =	smul.u32 $0x50000, s1  }
0x8: {  	[smem:$0x7FF] =	sst s4;
	s14 =	smul.u32 $0x500, s1;
	s31 =	sshll.u32 s1, $0x6  }
0x9: {  	s8 =	smul.u32 $0x28000, s7;
	_ =	strace $0x80000047;
	s30 =	ssub.s32 $0x2, s7  }
0xa: {  	s7 =	smul.u32 $0x5000, s7;
	s10 =	sadd.s32 s15, s5;
	s11 =	sshrl.u32 s30, $0x1  }
0xb: {  	s9 =	sshrl.u32 s9, $0x2;
	s8 =	sadd.s32 s8, s5;
	s11 =	ssub.s32 s30, s11  }
0xc: {  	s12 =	sadd.s32 s9, s3;
	s5 =	sadd.s32 $0x3000, s10;
	s13 =	sadd.s32 s6, s7  }
0xd: {  	s7 =	simm.s32 $0x16800;
	s9 =	sor.u32 $0x1C02, s31;
	s16 =	sadd.s32 $0x2B000, s8  }
0xe: {  	s6 =	smax.u32 s11, $0x1;
	s8 =	simm.s32 $0x2;
	s10 =	sshrl.u32 s12, $0x3  }
0xf: {  	s11 =	sadd.s32 s14, s13;
	s12 =	simm.s32 $0x14000;
	s13 =	simm.s32 $0x80  }
0x10: {  	s14 =	simm.s32 $0x1;
	s15 =	sadd.s32 s15, s16;
	s16 =	simm.s32 $0x0  }
.LBB2_1:
0x11: {  	[tilespmem:s7], [sflag:$0x2] =	stream.linear.gather [hbm4b:s2+s4], $0x4000, $0x38;
	[tilespmem:$0x1A800] =	vst v63  }
0x12: {  	_ =	swait.ge [sflag:s8], $0x4000  }
0x13: {  	[sflag:s8] =	ssyncset.done $0x0  }
0x14: {  	[sflag:s8] =	ssyncadd.s32 $0xFFFFC000  }
0x15: {  	[spmem:s10], [sflag:s9] =	dma.local [hbm:s5], $0x2800  }
0x16: {  	_ =	swait.ge [sflag:s8], $0x2800  }
0x17: {  	[sflag:s8] =	ssyncset.done $0x0  }
0x18: {  	[sflag:s8] =	ssyncadd.s32 $0xFFFFD800  }
0x19: {  	[bflag:$0x0] =	sbarrier.arrive $0xFFFF  }
0x1a: {  	[tilespmem:s12], [sflag:$0x2] =	stream.linear.gather [hbm4b:s11+s4], $0x2800, $0x38;
	[tilespmem:$0x1A800] =	vst v63  }
0x1b: {  	_ =	swait.ge [sflag:s8], $0x2800  }
0x1c: {  	[sflag:s8] =	ssyncset.done $0x0  }
0x1d: {  	s17 =	simm.s32 $0x0;
	[sflag:s8] =	ssyncadd.s32 $0xFFFFD800  }
.LBB2_2:
0x1e: {  	p0 =	sne.s32 s17, $0x9E00  }
.Ltmp0:
0x1f: {  	_ = 	snop;
	(pc) =	sbr.rel @p0 .LBB2_2-.Ltmp0, $4  }
0x20: {  	_ = 	snop  }
0x21: {  	s18 =	sshra.s32 s17, $0x2  }
0x22: {  	s17 =	sadd.s32 $0x200, s17;
	s18 =	sadd.s32 $0x14000, s18  }
0x23: {  	[spmem:s3] =	stream.indirect.scatter.add.f32 [tilespmem:s7], [sflag:$0x1], $0x80, s18, s13, $0xb8;
	[tilespmem:$0x1A800] =	vst v63  }
0x24: {  	_ =	swait.ge [sflag:s14], $0x4000  }
0x25: {  	s17 =	simm.s32 $0x4F;
	[sflag:s14] =	ssyncset.done $0x0  }
.LBB2_4:
0x26: {  	p0 =	sne.s32 s17, $0x1;
	s17 =	sadd.s32 $0xFFFFFFFF, s17;
	[sflag:s14] =	ssyncadd.s32 $0xFFFFC000  }
.Ltmp1:
0x27: {  	(pc) =	sbr.rel @p0 .LBB2_4-.Ltmp1, $3  }
0x28: {  	_ =	sdelay $0x1  }
0x29: {  	_ =	swait.ge [sflag:s14], $0x4000  }
0x2a: {  	[sflag:s14] =	ssyncset.done $0x0  }
0x2b: {  	s16 =	sadd.s32 $0x1, s16  }
0x2c: {  	[sflag:s14] =	ssyncadd.s32 $0xFFFFC000;
	p0 =	sne.s32 s16, s6  }
.Ltmp2:
0x2d: {  	[bflag:$0x0] =	sbarrier.arrive $0xFFFF;
	(pc) =	sbr.rel @p0 .LBB2_1-.Ltmp2, $4  }
0x2e: {  	[hbm:s15], [sflag:s9] =	dma.local [spmem:s10], $0x2800  }
0x2f: {  	_ =	swait.ge [sflag:s8], $0x2800  }
0x30: {  	[sflag:s8] =	ssyncset.done $0x0  }
0x31: {  	[sflag:s8] =	ssyncadd.s32 $0xFFFFD800  }
0x32: {  	_ =	sfence.sel $0x180000  }
0x33: {  	[bflag:$0x0] =	sbarrier.arrive $0xFFFF  }
0x34: {  	p0 =	sne.s32 s1, $0x0;
	_ =	strace $0x90000047  }
0x35: {  	s0 =	sadd.s32 @!p0 $0x100000, s0;
	[bflag:$0x2] =	sbarrier.arrive $0xFFFF  }
0x36: {  	[sflag:s0] =	ssyncadd.tile.s32 @!p0 $0x1;
	_ =	shalt  }
.Lfunc_end2:
_tile_overlayer_lowered:
.L_overlay_start_2:
0x37: {  	(tag) =	ssettag $0x2  }
0x38: {  	s0 =	rddreg [dreg:$0x0];
	s2 =	stileid.u32  }
0x39: {  	s1 =	rddreg [dreg:$0x1];
	p0 =	sne.s32 s2, $0x0  }
0x3a: {  	s3 =	rddreg [dreg:$0x2];
	[bflag:$0x3] =	sbarrier.arrive $0xFFFF;
	s2 =	simm.s32 @!p0 $0x1C02  }
0x3b: {  	[timem:s3], [sflag:s2] =	dma.local @!p0 [hbm:s0], s1  }
0x3c: {  	s0 =	simm.s32 @!p0 $0x2  }
0x3d: {  	_ =	swait.ge @!p0 [sflag:s0], s1  }
0x3e: {  	s1 =	ssub.s32 @!p0 $0x0, s1;
	[sflag:s0] =	ssyncset.done @!p0 $0x0  }
0x3f: {  	[sflag:s0] =	ssyncadd.s32 @!p0 s1  }
0x40: {  	[bflag:$0x3] =	sbarrier.arrive $0xFFFF  }
0x41: {  	_ =	shalt  }

</sc_bundles>
